<compile_context>
chip_gen: v7x
topology: tpu7x:2x2x1
jax: 0.10.2.dev20260603
libtpu: 0.0.44.dev20260713+nightly
codegen_flags: <defaults>
</compile_context>

<pallas_src>
import functools

import jax
import jax.numpy as jnp
from jax import lax
from jax.experimental import pallas as pl
from jax.experimental.pallas import tpu as pltpu
from jax.experimental.pallas import tpu_sc as plsc

N = 10000
E = 320000
D = 128
LANES = 16
NUM_CORES = 2
NUM_SUBCORES = 16
NW = NUM_CORES * NUM_SUBCORES
CHUNK = 128
EPW = ((E + NW * CHUNK - 1) // (NW * CHUNK)) * CHUNK
EPAD = EPW * NW
NCHUNK = EPW // CHUNK
NPAD = 10240
ROWS_PER_TILE = NPAD // NUM_SUBCORES


def _make_agg():
    mesh = plsc.VectorSubcoreMesh(core_axis_name="c", subcore_axis_name="s")

    @functools.partial(
        pl.kernel,
        mesh=mesh,
        out_type=jax.ShapeDtypeStruct((NUM_CORES, NPAD, D), jnp.float32),
        scratch_types=[
            pltpu.VMEM((CHUNK,), jnp.int32),
            pltpu.VMEM((CHUNK,), jnp.int32),
            pltpu.VMEM((CHUNK,), jnp.float32),
            pltpu.VMEM((CHUNK, D), jnp.float32),
            pltpu.VMEM_SHARED((NPAD, D), jnp.float32),
            pltpu.SemaphoreType.DMA,
        ],
    )
    def agg(x_hbm, src_hbm, dst_hbm, val_hbm, zeros_hbm, out_hbm,
            srci, dsti, valv, rows, acc, sem):
        cid = lax.axis_index("c")
        sid = lax.axis_index("s")
        rbase = sid * ROWS_PER_TILE
        pltpu.sync_copy(zeros_hbm, acc.at[pl.ds(rbase, ROWS_PER_TILE)])
        plsc.subcore_barrier()

        ebase = cid * (EPAD // NUM_CORES) + sid * EPW

        def chunk_body(i, carry):
            off = ebase + i * CHUNK
            pltpu.sync_copy(src_hbm.at[pl.ds(off, CHUNK)], srci)
            pltpu.sync_copy(dst_hbm.at[pl.ds(off, CHUNK)], dsti)
            pltpu.sync_copy(val_hbm.at[pl.ds(off, CHUNK)], valv)
            pltpu.async_copy(x_hbm.at[srci], rows, sem).wait()

            def grp_body(g, c2):
                vv = valv[pl.ds(g * LANES, LANES)]
                for k in range(LANES):
                    vb = jnp.full((LANES,), vv[k], jnp.float32)
                    e = g * LANES + k
                    for j in range(D // LANES):
                        sl = pl.ds(j * LANES, LANES)
                        rows[e, sl] = rows[e, sl] * vb
                return c2

            lax.fori_loop(0, CHUNK // LANES, grp_body, 0)
            pltpu.sync_copy(rows, acc.at[dsti], add=True)
            return carry

        lax.fori_loop(0, NCHUNK, chunk_body, 0)
        plsc.subcore_barrier()
        pltpu.sync_copy(acc.at[pl.ds(rbase, ROWS_PER_TILE)],
                        out_hbm.at[cid, pl.ds(rbase, ROWS_PER_TILE)])

    return agg


_agg = _make_agg()


def _mlp_body(p0_ref, p1_ref, w0_ref, w1_ref, w2_ref, o_ref):
    a = p0_ref[...] + p1_ref[...]
    h = jnp.maximum(jnp.dot(a, w0_ref[...], preferred_element_type=jnp.float32), 0.0)
    h = jnp.maximum(jnp.dot(h, w1_ref[...], preferred_element_type=jnp.float32), 0.0)
    o_ref[...] = jnp.dot(h, w2_ref[...], preferred_element_type=jnp.float32)


def _mlp(p0, p1, w0t, w1t, w2t):
    blk = 640
    grid = NPAD // blk
    wspec = pl.BlockSpec((D, D), lambda i: (0, 0))
    return pl.pallas_call(
        _mlp_body,
        grid=(grid,),
        in_specs=[
            pl.BlockSpec((blk, D), lambda i: (i, 0)),
            pl.BlockSpec((blk, D), lambda i: (i, 0)),
            wspec, wspec, wspec,
        ],
        out_specs=pl.BlockSpec((blk, D), lambda i: (i, 0)),
        out_shape=jax.ShapeDtypeStruct((NPAD, D), jnp.float32),
    )(p0, p1, w0t, w1t, w2t)


def kernel(x, edge_index, edge_values, W0, W1, W2):
    pad = EPAD - E
    dst = jnp.concatenate([edge_index[0], jnp.zeros((pad,), jnp.int32)])
    src = jnp.concatenate([edge_index[1], jnp.zeros((pad,), jnp.int32)])
    val = jnp.concatenate([edge_values, jnp.zeros((pad,), jnp.float32)])
    zeros = jnp.zeros((ROWS_PER_TILE, D), jnp.float32)
    partials = _agg(x, src, dst, val, zeros)
    return _mlp(partials[0], partials[1], W0.T, W1.T, W2.T)[:N]

# --- scband reference (transcript-rebuilt; emitter-appended) ---
"""Pipeline reference for scband-mlppool-56195352100976 (READ-ONLY COPY).

The authoritative reference and input builder live on the scoring server;
editing this copy changes nothing except your own understanding.
"""

import jax, jax.numpy as jnp
import numpy as np

N = 10000
E = 320000
D = 128
H = 128
O = 128


def setup_inputs(seed: int = 0) -> dict:
    key = jax.random.key(seed)
    k1, k2, k3, k4, k5, k6 = jax.random.split(key, 6)
    x = jax.random.normal(k1, (N, D), dtype=jnp.float32)
    # COO representation of the sparse normalized adjacency adj_hat [N, N]
    edge_index = jax.random.randint(k2, (2, E), 0, N, dtype=jnp.int32)
    edge_values = jax.random.uniform(k3, (E,), dtype=jnp.float32)
    # nn.Linear(bias=False) weights, torch layout [out_features, in_features]
    W0 = jax.random.normal(k4, (H, D), dtype=jnp.float32) * 0.05
    W1 = jax.random.normal(k5, (H, H), dtype=jnp.float32) * 0.05
    W2 = jax.random.normal(k6, (O, H), dtype=jnp.float32) * 0.05
    return {"x": x, "edge_index": edge_index, "edge_values": edge_values,
            "W0": W0, "W1": W1, "W2": W2}


def reference(x, edge_index, edge_values, W0, W1, W2):
    # layer 0: dense linear (no bias)
    h = x @ W0.T
    # torch.sparse.mm(adj_hat, h): out[row] += val * h[col]
    dst = edge_index[0]
    src = edge_index[1]
    msgs = edge_values[:, None] * jnp.take(h, src, axis=0)
    h = jax.ops.segment_sum(msgs, dst, num_segments=N)
    h = jax.nn.relu(h)
    # dropout p=0.0 -> identity
    # middle hidden layer (num_hidden=3 -> one middle layer)
    h = jax.nn.relu(h @ W1.T)
    # final layer
    out = h @ W2.T
    return out

if __name__ == "__main__":
    import jax
    _d = setup_inputs()
    print(jax.jit(kernel)(*tuple(_d.values())))

</pallas_src>

<mosaic_0001>
#map = affine_map<(d0, d1) -> (0, 0)>
#map1 = affine_map<(d0, d1) -> (0)>
#map2 = affine_map<(d0, d1) -> (0, 0, 0)>
module attributes {stable_mosaic.version = 14 : i64} {
  func.func @agg(%arg0: i32, %arg1: i32, %arg2: memref<10000x128xf32, #tpu.memory_space<hbm>>, %arg3: memref<323584xi32, #tpu.memory_space<hbm>>, %arg4: memref<323584xi32, #tpu.memory_space<hbm>>, %arg5: memref<323584xf32, #tpu.memory_space<hbm>>, %arg6: memref<640x128xf32, #tpu.memory_space<hbm>>, %arg7: memref<2x10240x128xf32, #tpu.memory_space<hbm>>, %arg8: memref<128xi32, #tpu.memory_space<vmem>>, %arg9: memref<128xi32, #tpu.memory_space<vmem>>, %arg10: memref<128xf32, #tpu.memory_space<vmem>>, %arg11: memref<128x128xf32, #tpu.memory_space<vmem>>, %arg12: memref<10240x128xf32, #tpu.memory_space<vmem_shared>>, %arg13: memref<!tpu.dma_semaphore, #tpu.memory_space<semaphore_mem>>) attributes {dimension_semantics = [#tpu.dimension_semantics<core_parallel>, #tpu.dimension_semantics<subcore_parallel>], iteration_bounds = array<i64: 2, 16>, scalar_prefetch = 0 : i64, scratch_operands = 6 : i64, tpu.core_type = #tpu.core_type<sc_vector_subcore>, window_params = [{transform_indices = #map}, {transform_indices = #map1}, {transform_indices = #map1}, {transform_indices = #map1}, {transform_indices = #map}, {transform_indices = #map2}]} {
    %mul3A = arith.constant 640 : i32
    %mul3A_0 = arith.muli %arg1, %mul3A : i32
    "tpu.region"() ({
      %run_scoped3A = tpu.sem_alloc : memref<!tpu.dma_semaphore, #tpu.memory_space<semaphore_mem>>
      %dma_start3A = arith.constant 0 : i32
      %dma_start3A_11 = tpu.memref_slice %arg12[%mul3A_0, %dma_start3A] : memref<10240x128xf32, #tpu.memory_space<vmem_shared>> -> memref<640x128xf32, #tpu.memory_space<vmem_shared>>
      tpu.enqueue_dma source(%arg6 : memref<640x128xf32, #tpu.memory_space<hbm>>) target(%dma_start3A_11 : memref<640x128xf32, #tpu.memory_space<vmem_shared>>) target_semaphore(%run_scoped3A : memref<!tpu.dma_semaphore, #tpu.memory_space<semaphore_mem>>)
      %dma_wait3A = arith.constant 0 : i32
      %dma_wait3A_12 = tpu.memref_slice %arg12[%mul3A_0, %dma_wait3A] : memref<10240x128xf32, #tpu.memory_space<vmem_shared>> -> memref<640x128xf32, #tpu.memory_space<vmem_shared>>
      tpu.wait_dma2 semaphore(%run_scoped3A : memref<!tpu.dma_semaphore, #tpu.memory_space<semaphore_mem>>) src(%arg6 : memref<640x128xf32, #tpu.memory_space<hbm>>) dst(%dma_wait3A_12 : memref<640x128xf32, #tpu.memory_space<vmem_shared>>)
      tpu.yield
    }) : () -> ()
    %barrier3A = arith.constant 0 : index
    tpu.barrier barrier_id(%barrier3A)
    %mul3A_1 = arith.constant 161792 : i32
    %mul3A_2 = arith.muli %arg0, %mul3A_1 : i32
    %mul3A_3 = arith.constant 10112 : i32
    %mul3A_4 = arith.muli %arg1, %mul3A_3 : i32
    %add3A = arith.addi %mul3A_2, %mul3A_4 : i32
    %scan3A = arith.constant 0 : i32
    %scan3A_5 = arith.constant 0 : i32
    %scan3A_6 = arith.constant 79 : i32
    %scan3A_7 = arith.addi %scan3A_5, %scan3A_6 : i32
    %scan3A_8 = arith.constant 1 : i32
    scf.for %scan3A_11 = %scan3A_5 to %scan3A_7 step %scan3A_8  : i32 {
      %mul3A_12 = arith.constant 128 : i32
      %mul3A_13 = arith.muli %scan3A_11, %mul3A_12 : i32
      %add3A_14 = arith.addi %add3A, %mul3A_13 : i32
      "tpu.region"() ({
        %run_scoped3A = tpu.sem_alloc : memref<!tpu.dma_semaphore, #tpu.memory_space<semaphore_mem>>
        %dma_start3A_25 = tpu.memref_slice %arg3[%add3A_14] : memref<323584xi32, #tpu.memory_space<hbm>> -> memref<128xi32, #tpu.memory_space<hbm>>
        %dma_start3A_26 = tpu.memref_slice %arg3[%add3A_14] : memref<323584xi32, #tpu.memory_space<hbm>> -> memref<128xi32, #tpu.memory_space<hbm>>
        tpu.enqueue_dma source(%dma_start3A_26 : memref<128xi32, #tpu.memory_space<hbm>>) target(%arg8 : memref<128xi32, #tpu.memory_space<vmem>>) target_semaphore(%run_scoped3A : memref<!tpu.dma_semaphore, #tpu.memory_space<semaphore_mem>>)
        %dma_wait3A_27 = tpu.memref_slice %arg3[%add3A_14] : memref<323584xi32, #tpu.memory_space<hbm>> -> memref<128xi32, #tpu.memory_space<hbm>>
        %dma_wait3A_28 = tpu.memref_slice %arg3[%add3A_14] : memref<323584xi32, #tpu.memory_space<hbm>> -> memref<128xi32, #tpu.memory_space<hbm>>
        tpu.wait_dma2 semaphore(%run_scoped3A : memref<!tpu.dma_semaphore, #tpu.memory_space<semaphore_mem>>) src(%dma_wait3A_28 : memref<128xi32, #tpu.memory_space<hbm>>) dst(%arg8 : memref<128xi32, #tpu.memory_space<vmem>>)
        tpu.yield
      }) : () -> ()
      "tpu.region"() ({
        %run_scoped3A = tpu.sem_alloc : memref<!tpu.dma_semaphore, #tpu.memory_space<semaphore_mem>>
        %dma_start3A_25 = tpu.memref_slice %arg4[%add3A_14] : memref<323584xi32, #tpu.memory_space<hbm>> -> memref<128xi32, #tpu.memory_space<hbm>>
        %dma_start3A_26 = tpu.memref_slice %arg4[%add3A_14] : memref<323584xi32, #tpu.memory_space<hbm>> -> memref<128xi32, #tpu.memory_space<hbm>>
        tpu.enqueue_dma source(%dma_start3A_26 : memref<128xi32, #tpu.memory_space<hbm>>) target(%arg9 : memref<128xi32, #tpu.memory_space<vmem>>) target_semaphore(%run_scoped3A : memref<!tpu.dma_semaphore, #tpu.memory_space<semaphore_mem>>)
        %dma_wait3A_27 = tpu.memref_slice %arg4[%add3A_14] : memref<323584xi32, #tpu.memory_space<hbm>> -> memref<128xi32, #tpu.memory_space<hbm>>
        %dma_wait3A_28 = tpu.memref_slice %arg4[%add3A_14] : memref<323584xi32, #tpu.memory_space<hbm>> -> memref<128xi32, #tpu.memory_space<hbm>>
        tpu.wait_dma2 semaphore(%run_scoped3A : memref<!tpu.dma_semaphore, #tpu.memory_space<semaphore_mem>>) src(%dma_wait3A_28 : memref<128xi32, #tpu.memory_space<hbm>>) dst(%arg9 : memref<128xi32, #tpu.memory_space<vmem>>)
        tpu.yield
      }) : () -> ()
      "tpu.region"() ({
        %run_scoped3A = tpu.sem_alloc : memref<!tpu.dma_semaphore, #tpu.memory_space<semaphore_mem>>
        %dma_start3A_25 = tpu.memref_slice %arg5[%add3A_14] : memref<323584xf32, #tpu.memory_space<hbm>> -> memref<128xf32, #tpu.memory_space<hbm>>
        %dma_start3A_26 = tpu.memref_slice %arg5[%add3A_14] : memref<323584xf32, #tpu.memory_space<hbm>> -> memref<128xf32, #tpu.memory_space<hbm>>
        tpu.enqueue_dma source(%dma_start3A_26 : memref<128xf32, #tpu.memory_space<hbm>>) target(%arg10 : memref<128xf32, #tpu.memory_space<vmem>>) target_semaphore(%run_scoped3A : memref<!tpu.dma_semaphore, #tpu.memory_space<semaphore_mem>>)
        %dma_wait3A_27 = tpu.memref_slice %arg5[%add3A_14] : memref<323584xf32, #tpu.memory_space<hbm>> -> memref<128xf32, #tpu.memory_space<hbm>>
        %dma_wait3A_28 = tpu.memref_slice %arg5[%add3A_14] : memref<323584xf32, #tpu.memory_space<hbm>> -> memref<128xf32, #tpu.memory_space<hbm>>
        tpu.wait_dma2 semaphore(%run_scoped3A : memref<!tpu.dma_semaphore, #tpu.memory_space<semaphore_mem>>) src(%dma_wait3A_28 : memref<128xf32, #tpu.memory_space<hbm>>) dst(%arg10 : memref<128xf32, #tpu.memory_space<vmem>>)
        tpu.yield
      }) : () -> ()
      %dma_start3A = arith.constant 0 : i32
      %dma_start3A_15 = arith.constant 0 : i32
      %dma_start3A_16 = tpu.memref_slice %arg2[%dma_start3A, %dma_start3A_15] : memref<10000x128xf32, #tpu.memory_space<hbm>> -> memref<10000x128xf32, #tpu.memory_space<hbm>>
      tpu.enqueue_indirect_dma source(%dma_start3A_16 : memref<10000x128xf32, #tpu.memory_space<hbm>>) target(%arg11 : memref<128x128xf32, #tpu.memory_space<vmem>>) offsets(%arg8 : memref<128xi32, #tpu.memory_space<vmem>>) semaphore(%arg13 : memref<!tpu.dma_semaphore, #tpu.memory_space<semaphore_mem>>)
      %dma_wait3A = arith.constant 0 : i32
      %dma_wait3A_17 = arith.constant 0 : i32
      %dma_wait3A_18 = tpu.memref_slice %arg2[%dma_wait3A, %dma_wait3A_17] : memref<10000x128xf32, #tpu.memory_space<hbm>> -> memref<10000x128xf32, #tpu.memory_space<hbm>>
      tpu.wait_indirect_dma semaphore(%arg13 : memref<!tpu.dma_semaphore, #tpu.memory_space<semaphore_mem>>) src(%dma_wait3A_18 : memref<10000x128xf32, #tpu.memory_space<hbm>>) dst(%arg11 : memref<128x128xf32, #tpu.memory_space<vmem>>)
      %scan3A_19 = arith.constant 0 : i32
      %scan3A_20 = arith.constant 0 : i32
      %scan3A_21 = arith.constant 8 : i32
      %scan3A_22 = arith.addi %scan3A_20, %scan3A_21 : i32
      %scan3A_23 = arith.constant 1 : i32
      scf.for %scan3A_25 = %scan3A_20 to %scan3A_22 step %scan3A_23  : i32 {
        %mul3A_26 = arith.constant 16 : i32
        %mul3A_27 = arith.muli %scan3A_25, %mul3A_26 : i32
        %get3A = arith.index_cast %mul3A_27 : i32 to index
        %get3A_28 = tpu.vector_load %arg10[%get3A] {strides = array<i32>} : memref<128xf32, #tpu.memory_space<vmem>>, vector<16xf32>,
        %get3A_29 = vector.shape_cast %get3A_28 : vector<16xf32> to vector<16xf32>
        %slice3A = vector.extract_strided_slice %get3A_29 {offsets = [0], sizes = [1], strides = [1]} : vector<16xf32> to vector<1xf32>
        %squeeze3A = vector.extract %slice3A[0] : f32 from vector<1xf32>
        %broadcast_in_dim3A = vector.broadcast %squeeze3A : f32 to vector<16xf32>
        %mul3A_30 = arith.constant 16 : i32
        %mul3A_31 = arith.muli %scan3A_25, %mul3A_30 : i32
        %add3A_32 = arith.constant 0 : i32
        %add3A_33 = arith.addi %mul3A_31, %add3A_32 : i32
        %get3A_34 = arith.index_cast %add3A_33 : i32 to index
        %get3A_35 = arith.constant 0 : index
        %get3A_36 = tpu.vector_load %arg11[%get3A_34, %get3A_35] {strides = array<i32>} : memref<128x128xf32, #tpu.memory_space<vmem>>, vector<1x16xf32>,
        %get3A_37 = vector.shape_cast %get3A_36 : vector<1x16xf32> to vector<16xf32>
        %mul3A_38 = arith.mulf %get3A_37, %broadcast_in_dim3A : vector<16xf32>
        %swap3A = arith.index_cast %add3A_33 : i32 to index
        %swap3A_39 = arith.constant 0 : index
        %swap3A_40 = tpu.vector_load %arg11[%swap3A, %swap3A_39] {strides = array<i32>} : memref<128x128xf32, #tpu.memory_space<vmem>>, vector<1x16xf32>,
        %swap3A_41 = vector.shape_cast %swap3A_40 : vector<1x16xf32> to vector<16xf32>
        %swap3A_42 = vector.shape_cast %mul3A_38 : vector<16xf32> to vector<1x16xf32>
        tpu.vector_store %arg11[%swap3A, %swap3A_39], %swap3A_42 {strides = array<i32>} : memref<128x128xf32, #tpu.memory_space<vmem>>, vector<1x16xf32>,
        %get3A_43 = arith.index_cast %add3A_33 : i32 to index
        %get3A_44 = arith.constant 16 : index
        %get3A_45 = tpu.vector_load %arg11[%get3A_43, %get3A_44] {strides = array<i32>} : memref<128x128xf32, #tpu.memory_space<vmem>>, vector<1x16xf32>,
        %get3A_46 = vector.shape_cast %get3A_45 : vector<1x16xf32> to vector<16xf32>
        %mul3A_47 = arith.mulf %get3A_46, %broadcast_in_dim3A : vector<16xf32>
        %swap3A_48 = arith.index_cast %add3A_33 : i32 to index
        %swap3A_49 = arith.constant 16 : index
        %swap3A_50 = tpu.vector_load %arg11[%swap3A_48, %swap3A_49] {strides = array<i32>} : memref<128x128xf32, #tpu.memory_space<vmem>>, vector<1x16xf32>,
        %swap3A_51 = vector.shape_cast %swap3A_50 : vector<1x16xf32> to vector<16xf32>
        %swap3A_52 = vector.shape_cast %mul3A_47 : vector<16xf32> to vector<1x16xf32>
        tpu.vector_store %arg11[%swap3A_48, %swap3A_49], %swap3A_52 {strides = array<i32>} : memref<128x128xf32, #tpu.memory_space<vmem>>, vector<1x16xf32>,
        %get3A_53 = arith.index_cast %add3A_33 : i32 to index
        %get3A_54 = arith.constant 32 : index
        %get3A_55 = tpu.vector_load %arg11[%get3A_53, %get3A_54] {strides = array<i32>} : memref<128x128xf32, #tpu.memory_space<vmem>>, vector<1x16xf32>,
        %get3A_56 = vector.shape_cast %get3A_55 : vector<1x16xf32> to vector<16xf32>
        %mul3A_57 = arith.mulf %get3A_56, %broadcast_in_dim3A : vector<16xf32>
        %swap3A_58 = arith.index_cast %add3A_33 : i32 to index
        %swap3A_59 = arith.constant 32 : index
        %swap3A_60 = tpu.vector_load %arg11[%swap3A_58, %swap3A_59] {strides = array<i32>} : memref<128x128xf32, #tpu.memory_space<vmem>>, vector<1x16xf32>,
        %swap3A_61 = vector.shape_cast %swap3A_60 : vector<1x16xf32> to vector<16xf32>
        %swap3A_62 = vector.shape_cast %mul3A_57 : vector<16xf32> to vector<1x16xf32>
        tpu.vector_store %arg11[%swap3A_58, %swap3A_59], %swap3A_62 {strides = array<i32>} : memref<128x128xf32, #tpu.memory_space<vmem>>, vector<1x16xf32>,
        %get3A_63 = arith.index_cast %add3A_33 : i32 to index
        %get3A_64 = arith.constant 48 : index
        %get3A_65 = tpu.vector_load %arg11[%get3A_63, %get3A_64] {strides = array<i32>} : memref<128x128xf32, #tpu.memory_space<vmem>>, vector<1x16xf32>,
        %get3A_66 = vector.shape_cast %get3A_65 : vector<1x16xf32> to vector<16xf32>
        %mul3A_67 = arith.mulf %get3A_66, %broadcast_in_dim3A : vector<16xf32>
        %swap3A_68 = arith.index_cast %add3A_33 : i32 to index
        %swap3A_69 = arith.constant 48 : index
        %swap3A_70 = tpu.vector_load %arg11[%swap3A_68, %swap3A_69] {strides = array<i32>} : memref<128x128xf32, #tpu.memory_space<vmem>>, vector<1x16xf32>,
        %swap3A_71 = vector.shape_cast %swap3A_70 : vector<1x16xf32> to vector<16xf32>
        %swap3A_72 = vector.shape_cast %mul3A_67 : vector<16xf32> to vector<1x16xf32>
        tpu.vector_store %arg11[%swap3A_68, %swap3A_69], %swap3A_72 {strides = array<i32>} : memref<128x128xf32, #tpu.memory_space<vmem>>, vector<1x16xf32>,
        %get3A_73 = arith.index_cast %add3A_33 : i32 to index
        %get3A_74 = arith.constant 64 : index
        %get3A_75 = tpu.vector_load %arg11[%get3A_73, %get3A_74] {strides = array<i32>} : memref<128x128xf32, #tpu.memory_space<vmem>>, vector<1x16xf32>,
        %get3A_76 = vector.shape_cast %get3A_75 : vector<1x16xf32> to vector<16xf32>
        %mul3A_77 = arith.mulf %get3A_76, %broadcast_in_dim3A : vector<16xf32>
        %swap3A_78 = arith.index_cast %add3A_33 : i32 to index
        %swap3A_79 = arith.constant 64 : index
        %swap3A_80 = tpu.vector_load %arg11[%swap3A_78, %swap3A_79] {strides = array<i32>} : memref<128x128xf32, #tpu.memory_space<vmem>>, vector<1x16xf32>,
        %swap3A_81 = vector.shape_cast %swap3A_80 : vector<1x16xf32> to vector<16xf32>
        %swap3A_82 = vector.shape_cast %mul3A_77 : vector<16xf32> to vector<1x16xf32>
        tpu.vector_store %arg11[%swap3A_78, %swap3A_79], %swap3A_82 {strides = array<i32>} : memref<128x128xf32, #tpu.memory_space<vmem>>, vector<1x16xf32>,
        %get3A_83 = arith.index_cast %add3A_33 : i32 to index
        %get3A_84 = arith.constant 80 : index
        %get3A_85 = tpu.vector_load %arg11[%get3A_83, %get3A_84] {strides = array<i32>} : memref<128x128xf32, #tpu.memory_space<vmem>>, vector<1x16xf32>,
        %get3A_86 = vector.shape_cast %get3A_85 : vector<1x16xf32> to vector<16xf32>
        %mul3A_87 = arith.mulf %get3A_86, %broadcast_in_dim3A : vector<16xf32>
        %swap3A_88 = arith.index_cast %add3A_33 : i32 to index
        %swap3A_89 = arith.constant 80 : index
        %swap3A_90 = tpu.vector_load %arg11[%swap3A_88, %swap3A_89] {strides = array<i32>} : memref<128x128xf32, #tpu.memory_space<vmem>>, vector<1x16xf32>,
        %swap3A_91 = vector.shape_cast %swap3A_90 : vector<1x16xf32> to vector<16xf32>
        %swap3A_92 = vector.shape_cast %mul3A_87 : vector<16xf32> to vector<1x16xf32>
        tpu.vector_store %arg11[%swap3A_88, %swap3A_89], %swap3A_92 {strides = array<i32>} : memref<128x128xf32, #tpu.memory_space<vmem>>, vector<1x16xf32>,
        %get3A_93 = arith.index_cast %add3A_33 : i32 to index
        %get3A_94 = arith.constant 96 : index
        %get3A_95 = tpu.vector_load %arg11[%get3A_93, %get3A_94] {strides = array<i32>} : memref<128x128xf32, #tpu.memory_space<vmem>>, vector<1x16xf32>,
        %get3A_96 = vector.shape_cast %get3A_95 : vector<1x16xf32> to vector<16xf32>
        %mul3A_97 = arith.mulf %get3A_96, %broadcast_in_dim3A : vector<16xf32>
        %swap3A_98 = arith.index_cast %add3A_33 : i32 to index
        %swap3A_99 = arith.constant 96 : index
        %swap3A_100 = tpu.vector_load %arg11[%swap3A_98, %swap3A_99] {strides = array<i32>} : memref<128x128xf32, #tpu.memory_space<vmem>>, vector<1x16xf32>,
        %swap3A_101 = vector.shape_cast %swap3A_100 : vector<1x16xf32> to vector<16xf32>
        %swap3A_102 = vector.shape_cast %mul3A_97 : vector<16xf32> to vector<1x16xf32>
        tpu.vector_store %arg11[%swap3A_98, %swap3A_99], %swap3A_102 {strides = array<i32>} : memref<128x128xf32, #tpu.memory_space<vmem>>, vector<1x16xf32>,
        %get3A_103 = arith.index_cast %add3A_33 : i32 to index
        %get3A_104 = arith.constant 112 : index
        %get3A_105 = tpu.vector_load %arg11[%get3A_103, %get3A_104] {strides = array<i32>} : memref<128x128xf32, #tpu.memory_space<vmem>>, vector<1x16xf32>,
        %get3A_106 = vector.shape_cast %get3A_105 : vector<1x16xf32> to vector<16xf32>
        %mul3A_107 = arith.mulf %get3A_106, %broadcast_in_dim3A : vector<16xf32>
        %swap3A_108 = arith.index_cast %add3A_33 : i32 to index
        %swap3A_109 = arith.constant 112 : index
        %swap3A_110 = tpu.vector_load %arg11[%swap3A_108, %swap3A_109] {strides = array<i32>} : memref<128x128xf32, #tpu.memory_space<vmem>>, vector<1x16xf32>,
        %swap3A_111 = vector.shape_cast %swap3A_110 : vector<1x16xf32> to vector<16xf32>
        %swap3A_112 = vector.shape_cast %mul3A_107 : vector<16xf32> to vector<1x16xf32>
        tpu.vector_store %arg11[%swap3A_108, %swap3A_109], %swap3A_112 {strides = array<i32>} : memref<128x128xf32, #tpu.memory_space<vmem>>, vector<1x16xf32>,
        %slice3A_113 = vector.extract_strided_slice %get3A_29 {offsets = [1], sizes = [1], strides = [1]} : vector<16xf32> to vector<1xf32>
        %squeeze3A_114 = vector.extract %slice3A_113[0] : f32 from vector<1xf32>
        %broadcast_in_dim3A_115 = vector.broadcast %squeeze3A_114 : f32 to vector<16xf32>
        %mul3A_116 = arith.constant 16 : i32
        %mul3A_117 = arith.muli %scan3A_25, %mul3A_116 : i32
        %add3A_118 = arith.constant 1 : i32
        %add3A_119 = arith.addi %mul3A_117, %add3A_118 : i32
        %get3A_120 = arith.index_cast %add3A_119 : i32 to index
        %get3A_121 = arith.constant 0 : index
        %get3A_122 = tpu.vector_load %arg11[%get3A_120, %get3A_121] {strides = array<i32>} : memref<128x128xf32, #tpu.memory_space<vmem>>, vector<1x16xf32>,
        %get3A_123 = vector.shape_cast %get3A_122 : vector<1x16xf32> to vector<16xf32>
        %mul3A_124 = arith.mulf %get3A_123, %broadcast_in_dim3A_115 : vector<16xf32>
        %swap3A_125 = arith.index_cast %add3A_119 : i32 to index
        %swap3A_126 = arith.constant 0 : index
        %swap3A_127 = tpu.vector_load %arg11[%swap3A_125, %swap3A_126] {strides = array<i32>} : memref<128x128xf32, #tpu.memory_space<vmem>>, vector<1x16xf32>,
        %swap3A_128 = vector.shape_cast %swap3A_127 : vector<1x16xf32> to vector<16xf32>
        %swap3A_129 = vector.shape_cast %mul3A_124 : vector<16xf32> to vector<1x16xf32>
        tpu.vector_store %arg11[%swap3A_125, %swap3A_126], %swap3A_129 {strides = array<i32>} : memref<128x128xf32, #tpu.memory_space<vmem>>, vector<1x16xf32>,
        %get3A_130 = arith.index_cast %add3A_119 : i32 to index
        %get3A_131 = arith.constant 16 : index
        %get3A_132 = tpu.vector_load %arg11[%get3A_130, %get3A_131] {strides = array<i32>} : memref<128x128xf32, #tpu.memory_space<vmem>>, vector<1x16xf32>,
        %get3A_133 = vector.shape_cast %get3A_132 : vector<1x16xf32> to vector<16xf32>
        %mul3A_134 = arith.mulf %get3A_133, %broadcast_in_dim3A_115 : vector<16xf32>
        %swap3A_135 = arith.index_cast %add3A_119 : i32 to index
        %swap3A_136 = arith.constant 16 : index
        %swap3A_137 = tpu.vector_load %arg11[%swap3A_135, %swap3A_136] {strides = array<i32>} : memref<128x128xf32, #tpu.memory_space<vmem>>, vector<1x16xf32>,
        %swap3A_138 = vector.shape_cast %swap3A_137 : vector<1x16xf32> to vector<16xf32>
        %swap3A_139 = vector.shape_cast %mul3A_134 : vector<16xf32> to vector<1x16xf32>
        tpu.vector_store %arg11[%swap3A_135, %swap3A_136], %swap3A_139 {strides = array<i32>} : memref<128x128xf32, #tpu.memory_space<vmem>>, vector<1x16xf32>,
        %get3A_140 = arith.index_cast %add3A_119 : i32 to index
        %get3A_141 = arith.constant 32 : index
        %get3A_142 = tpu.vector_load %arg11[%get3A_140, %get3A_141] {strides = array<i32>} : memref<128x128xf32, #tpu.memory_space<vmem>>, vector<1x16xf32>,
        %get3A_143 = vector.shape_cast %get3A_142 : vector<1x16xf32> to vector<16xf32>
        %mul3A_144 = arith.mulf %get3A_143, %broadcast_in_dim3A_115 : vector<16xf32>
        %swap3A_145 = arith.index_cast %add3A_119 : i32 to index
        %swap3A_146 = arith.constant 32 : index
        %swap3A_147 = tpu.vector_load %arg11[%swap3A_145, %swap3A_146] {strides = array<i32>} : memref<128x128xf32, #tpu.memory_space<vmem>>, vector<1x16xf32>,
        %swap3A_148 = vector.shape_cast %swap3A_147 : vector<1x16xf32> to vector<16xf32>
        %swap3A_149 = vector.shape_cast %mul3A_144 : vector<16xf32> to vector<1x16xf32>
        tpu.vector_store %arg11[%swap3A_145, %swap3A_146], %swap3A_149 {strides = array<i32>} : memref<128x128xf32, #tpu.memory_space<vmem>>, vector<1x16xf32>,
        %get3A_150 = arith.index_cast %add3A_119 : i32 to index
        %get3A_151 = arith.constant 48 : index
        %get3A_152 = tpu.vector_load %arg11[%get3A_150, %get3A_151] {strides = array<i32>} : memref<128x128xf32, #tpu.memory_space<vmem>>, vector<1x16xf32>,
        %get3A_153 = vector.shape_cast %get3A_152 : vector<1x16xf32> to vector<16xf32>
        %mul3A_154 = arith.mulf %get3A_153, %broadcast_in_dim3A_115 : vector<16xf32>
        %swap3A_155 = arith.index_cast %add3A_119 : i32 to index
        %swap3A_156 = arith.constant 48 : index
        %swap3A_157 = tpu.vector_load %arg11[%swap3A_155, %swap3A_156] {strides = array<i32>} : memref<128x128xf32, #tpu.memory_space<vmem>>, vector<1x16xf32>,
        %swap3A_158 = vector.shape_cast %swap3A_157 : vector<1x16xf32> to vector<16xf32>
        %swap3A_159 = vector.shape_cast %mul3A_154 : vector<16xf32> to vector<1x16xf32>
        tpu.vector_store %arg11[%swap3A_155, %swap3A_156], %swap3A_159 {strides = array<i32>} : memref<128x128xf32, #tpu.memory_space<vmem>>, vector<1x16xf32>,
        %get3A_160 = arith.index_cast %add3A_119 : i32 to index
        %get3A_161 = arith.constant 64 : index
        %get3A_162 = tpu.vector_load %arg11[%get3A_160, %get3A_161] {strides = array<i32>} : memref<128x128xf32, #tpu.memory_space<vmem>>, vector<1x16xf32>,
        %get3A_163 = vector.shape_cast %get3A_162 : vector<1x16xf32> to vector<16xf32>
        %mul3A_164 = arith.mulf %get3A_163, %broadcast_in_dim3A_115 : vector<16xf32>
        %swap3A_165 = arith.index_cast %add3A_119 : i32 to index
        %swap3A_166 = arith.constant 64 : index
        %swap3A_167 = tpu.vector_load %arg11[%swap3A_165, %swap3A_166] {strides = array<i32>} : memref<128x128xf32, #tpu.memory_space<vmem>>, vector<1x16xf32>,
        %swap3A_168 = vector.shape_cast %swap3A_167 : vector<1x16xf32> to vector<16xf32>
        %swap3A_169 = vector.shape_cast %mul3A_164 : vector<16xf32> to vector<1x16xf32>
        tpu.vector_store %arg11[%swap3A_165, %swap3A_166], %swap3A_169 {strides = array<i32>} : memref<128x128xf32, #tpu.memory_space<vmem>>, vector<1x16xf32>,
        %get3A_170 = arith.index_cast %add3A_119 : i32 to index
        %get3A_171 = arith.constant 80 : index
        %get3A_172 = tpu.vector_load %arg11[%get3A_170, %get3A_171] {strides = array<i32>} : memref<128x128xf32, #tpu.memory_space<vmem>>, vector<1x16xf32>,
        %get3A_173 = vector.shape_cast %get3A_172 : vector<1x16xf32> to vector<16xf32>
        %mul3A_174 = arith.mulf %get3A_173, %broadcast_in_dim3A_115 : vector<16xf32>
        %swap3A_175 = arith.index_cast %add3A_119 : i32 to index
        %swap3A_176 = arith.constant 80 : index
        %swap3A_177 = tpu.vector_load %arg11[%swap3A_175, %swap3A_176] {strides = array<i32>} : memref<128x128xf32, #tpu.memory_space<vmem>>, vector<1x16xf32>,
        %swap3A_178 = vector.shape_cast %swap3A_177 : vector<1x16xf32> to vector<16xf32>
        %swap3A_179 = vector.shape_cast %mul3A_174 : vector<16xf32> to vector<1x16xf32>
        tpu.vector_store %arg11[%swap3A_175, %swap3A_176], %swap3A_179 {strides = array<i32>} : memref<128x128xf32, #tpu.memory_space<vmem>>, vector<1x16xf32>,
        %get3A_180 = arith.index_cast %add3A_119 : i32 to index
        %get3A_181 = arith.constant 96 : index
        %get3A_182 = tpu.vector_load %arg11[%get3A_180, %get3A_181] {strides = array<i32>} : memref<128x128xf32, #tpu.memory_space<vmem>>, vector<1x16xf32>,
        %get3A_183 = vector.shape_cast %get3A_182 : vector<1x16xf32> to vector<16xf32>
        %mul3A_184 = arith.mulf %get3A_183, %broadcast_in_dim3A_115 : vector<16xf32>
        %swap3A_185 = arith.index_cast %add3A_119 : i32 to index
        %swap3A_186 = arith.constant 96 : index
        %swap3A_187 = tpu.vector_load %arg11[%swap3A_185, %swap3A_186] {strides = array<i32>} : memref<128x128xf32, #tpu.memory_space<vmem>>, vector<1x16xf32>,
        %swap3A_188 = vector.shape_cast %swap3A_187 : vector<1x16xf32> to vector<16xf32>
        %swap3A_189 = vector.shape_cast %mul3A_184 : vector<16xf32> to vector<1x16xf32>
        tpu.vector_store %arg11[%swap3A_185, %swap3A_186], %swap3A_189 {strides = array<i32>} : memref<128x128xf32, #tpu.memory_space<vmem>>, vector<1x16xf32>,
        %get3A_190 = arith.index_cast %add3A_119 : i32 to index
        %get3A_191 = arith.constant 112 : index
        %get3A_192 = tpu.vector_load %arg11[%get3A_190, %get3A_191] {strides = array<i32>} : memref<128x128xf32, #tpu.memory_space<vmem>>, vector<1x16xf32>,
        %get3A_193 = vector.shape_cast %get3A_192 : vector<1x16xf32> to vector<16xf32>
        %mul3A_194 = arith.mulf %get3A_193, %broadcast_in_dim3A_115 : vector<16xf32>
        %swap3A_195 = arith.index_cast %add3A_119 : i32 to index
        %swap3A_196 = arith.constant 112 : index
        %swap3A_197 = tpu.vector_load %arg11[%swap3A_195, %swap3A_196] {strides = array<i32>} : memref<128x128xf32, #tpu.memory_space<vmem>>, vector<1x16xf32>,
        %swap3A_198 = vector.shape_cast %swap3A_197 : vector<1x16xf32> to vector<16xf32>
        %swap3A_199 = vector.shape_cast %mul3A_194 : vector<16xf32> to vector<1x16xf32>
        tpu.vector_store %arg11[%swap3A_195, %swap3A_196], %swap3A_199 {strides = array<i32>} : memref<128x128xf32, #tpu.memory_space<vmem>>, vector<1x16xf32>,
        %slice3A_200 = vector.extract_strided_slice %get3A_29 {offsets = [2], sizes = [1], strides = [1]} : vector<16xf32> to vector<1xf32>
        %squeeze3A_201 = vector.extract %slice3A_200[0] : f32 from vector<1xf32>
        %broadcast_in_dim3A_202 = vector.broadcast %squeeze3A_201 : f32 to vector<16xf32>
        %mul3A_203 = arith.constant 16 : i32
        %mul3A_204 = arith.muli %scan3A_25, %mul3A_203 : i32
        %add3A_205 = arith.constant 2 : i32
        %add3A_206 = arith.addi %mul3A_204, %add3A_205 : i32
        %get3A_207 = arith.index_cast %add3A_206 : i32 to index
        %get3A_208 = arith.constant 0 : index
        %get3A_209 = tpu.vector_load %arg11[%get3A_207, %get3A_208] {strides = array<i32>} : memref<128x128xf32, #tpu.memory_space<vmem>>, vector<1x16xf32>,
        %get3A_210 = vector.shape_cast %get3A_209 : vector<1x16xf32> to vector<16xf32>
        %mul3A_211 = arith.mulf %get3A_210, %broadcast_in_dim3A_202 : vector<16xf32>
        %swap3A_212 = arith.index_cast %add3A_206 : i32 to index
        %swap3A_213 = arith.constant 0 : index
        %swap3A_214 = tpu.vector_load %arg11[%swap3A_212, %swap3A_213] {strides = array<i32>} : memref<128x128xf32, #tpu.memory_space<vmem>>, vector<1x16xf32>,
        %swap3A_215 = vector.shape_cast %swap3A_214 : vector<1x16xf32> to vector<16xf32>
        %swap3A_216 = vector.shape_cast %mul3A_211 : vector<16xf32> to vector<1x16xf32>
        tpu.vector_store %arg11[%swap3A_212, %swap3A_213], %swap3A_216 {strides = array<i32>} : memref<128x128xf32, #tpu.memory_space<vmem>>, vector<1x16xf32>,
        %get3A_217 = arith.index_cast %add3A_206 : i32 to index
        %get3A_218 = arith.constant 16 : index
        %get3A_219 = tpu.vector_load %arg11[%get3A_217, %get3A_218] {strides = array<i32>} : memref<128x128xf32, #tpu.memory_space<vmem>>, vector<1x16xf32>,
        %get3A_220 = vector.shape_cast %get3A_219 : vector<1x16xf32> to vector<16xf32>
        %mul3A_221 = arith.mulf %get3A_220, %broadcast_in_dim3A_202 : vector<16xf32>
        %swap3A_222 = arith.index_cast %add3A_206 : i32 to index
        %swap3A_223 = arith.constant 16 : index
        %swap3A_224 = tpu.vector_load %arg11[%swap3A_222, %swap3A_223] {strides = array<i32>} : memref<128x128xf32, #tpu.memory_space<vmem>>, vector<1x16xf32>,
        %swap3A_225 = vector.shape_cast %swap3A_224 : vector<1x16xf32> to vector<16xf32>
        %swap3A_226 = vector.shape_cast %mul3A_221 : vector<16xf32> to vector<1x16xf32>
        tpu.vector_store %arg11[%swap3A_222, %swap3A_223], %swap3A_226 {strides = array<i32>} : memref<128x128xf32, #tpu.memory_space<vmem>>, vector<1x16xf32>,
        %get3A_227 = arith.index_cast %add3A_206 : i32 to index
        %get3A_228 = arith.constant 32 : index
        %get3A_229 = tpu.vector_load %arg11[%get3A_227, %get3A_228] {strides = array<i32>} : memref<128x128xf32, #tpu.memory_space<vmem>>, vector<1x16xf32>,
        %get3A_230 = vector.shape_cast %get3A_229 : vector<1x16xf32> to vector<16xf32>
        %mul3A_231 = arith.mulf %get3A_230, %broadcast_in_dim3A_202 : vector<16xf32>
        %swap3A_232 = arith.index_cast %add3A_206 : i32 to index
        %swap3A_233 = arith.constant 32 : index
        %swap3A_234 = tpu.vector_load %arg11[%swap3A_232, %swap3A_233] {strides = array<i32>} : memref<128x128xf32, #tpu.memory_space<vmem>>, vector<1x16xf32>,
        %swap3A_235 = vector.shape_cast %swap3A_234 : vector<1x16xf32> to vector<16xf32>
        %swap3A_236 = vector.shape_cast %mul3A_231 : vector<16xf32> to vector<1x16xf32>
        tpu.vector_store %arg11[%swap3A_232, %swap3A_233], %swap3A_236 {strides = array<i32>} : memref<128x128xf32, #tpu.memory_space<vmem>>, vector<1x16xf32>,
        %get3A_237 = arith.index_cast %add3A_206 : i32 to index
        %get3A_238 = arith.constant 48 : index
        %get3A_239 = tpu.vector_load %arg11[%get3A_237, %get3A_238] {strides = array<i32>} : memref<128x128xf32, #tpu.memory_space<vmem>>, vector<1x16xf32>,
        %get3A_240 = vector.shape_cast %get3A_239 : vector<1x16xf32> to vector<16xf32>
        %mul3A_241 = arith.mulf %get3A_240, %broadcast_in_dim3A_202 : vector<16xf32>
        %swap3A_242 = arith.index_cast %add3A_206 : i32 to index
        %swap3A_243 = arith.constant 48 : index
        %swap3A_244 = tpu.vector_load %arg11[%swap3A_242, %swap3A_243] {strides = array<i32>} : memref<128x128xf32, #tpu.memory_space<vmem>>, vector<1x16xf32>,
        %swap3A_245 = vector.shape_cast %swap3A_244 : vector<1x16xf32> to vector<16xf32>
        %swap3A_246 = vector.shape_cast %mul3A_241 : vector<16xf32> to vector<1x16xf32>
        tpu.vector_store %arg11[%swap3A_242, %swap3A_243], %swap3A_246 {strides = array<i32>} : memref<128x128xf32, #tpu.memory_space<vmem>>, vector<1x16xf32>,
        %get3A_247 = arith.index_cast %add3A_206 : i32 to index
        %get3A_248 = arith.constant 64 : index
        %get3A_249 = tpu.vector_load %arg11[%get3A_247, %get3A_248] {strides = array<i32>} : memref<128x128xf32, #tpu.memory_space<vmem>>, vector<1x16xf32>,
        %get3A_250 = vector.shape_cast %get3A_249 : vector<1x16xf32> to vector<16xf32>
        %mul3A_251 = arith.mulf %get3A_250, %broadcast_in_dim3A_202 : vector<16xf32>
        %swap3A_252 = arith.index_cast %add3A_206 : i32 to index
        %swap3A_253 = arith.constant 64 : index
        %swap3A_254 = tpu.vector_load %arg11[%swap3A_252, %swap3A_253] {strides = array<i32>} : memref<128x128xf32, #tpu.memory_space<vmem>>, vector<1x16xf32>,
        %swap3A_255 = vector.shape_cast %swap3A_254 : vector<1x16xf32> to vector<16xf32>
        %swap3A_256 = vector.shape_cast %mul3A_251 : vector<16xf32> to vector<1x16xf32>
        tpu.vector_store %arg11[%swap3A_252, %swap3A_253], %swap3A_256 {strides = array<i32>} : memref<128x128xf32, #tpu.memory_space<vmem>>, vector<1x16xf32>,
        %get3A_257 = arith.index_cast %add3A_206 : i32 to index
        %get3A_258 = arith.constant 80 : index
        %get3A_259 = tpu.vector_load %arg11[%get3A_257, %get3A_258] {strides = array<i32>} : memref<128x128xf32, #tpu.memory_space<vmem>>, vector<1x16xf32>,
        %get3A_260 = vector.shape_cast %get3A_259 : vector<1x16xf32> to vector<16xf32>
        %mul3A_261 = arith.mulf %get3A_260, %broadcast_in_dim3A_202 : vector<16xf32>
        %swap3A_262 = arith.index_cast %add3A_206 : i32 to index
        %swap3A_263 = arith.constant 80 : index
        %swap3A_264 = tpu.vector_load %arg11[%swap3A_262, %swap3A_263] {strides = array<i32>} : memref<128x128xf32, #tpu.memory_space<vmem>>, vector<1x16xf32>,
        %swap3A_265 = vector.shape_cast %swap3A_264 : vector<1x16xf32> to vector<16xf32>
        %swap3A_266 = vector.shape_cast %mul3A_261 : vector<16xf32> to vector<1x16xf32>
        tpu.vector_store %arg11[%swap3A_262, %swap3A_263], %swap3A_266 {strides = array<i32>} : memref<128x128xf32, #tpu.memory_space<vmem>>, vector<1x16xf32>,
        %get3A_267 = arith.index_cast %add3A_206 : i32 to index
        %get3A_268 = arith.constant 96 : index
        %get3A_269 = tpu.vector_load %arg11[%get3A_267, %get3A_268] {strides = array<i32>} : memref<128x128xf32, #tpu.memory_space<vmem>>, vector<1x16xf32>,
        %get3A_270 = vector.shape_cast %get3A_269 : vector<1x16xf32> to vector<16xf32>
        %mul3A_271 = arith.mulf %get3A_270, %broadcast_in_dim3A_202 : vector<16xf32>
        %swap3A_272 = arith.index_cast %add3A_206 : i32 to index
        %swap3A_273 = arith.constant 96 : index
        %swap3A_274 = tpu.vector_load %arg11[%swap3A_272, %swap3A_273] {strides = array<i32>} : memref<128x128xf32, #tpu.memory_space<vmem>>, vector<1x16xf32>,
        %swap3A_275 = vector.shape_cast %swap3A_274 : vector<1x16xf32> to vector<16xf32>
        %swap3A_276 = vector.shape_cast %mul3A_271 : vector<16xf32> to vector<1x16xf32>
        tpu.vector_store %arg11[%swap3A_272, %swap3A_273], %swap3A_276 {strides = array<i32>} : memref<128x128xf32, #tpu.memory_space<vmem>>, vector<1x16xf32>,
        %get3A_277 = arith.index_cast %add3A_206 : i32 to index
        %get3A_278 = arith.constant 112 : index
        %get3A_279 = tpu.vector_load %arg11[%get3A_277, %get3A_278] {strides = array<i32>} : memref<128x128xf32, #tpu.memory_space<vmem>>, vector<1x16xf32>,
        %get3A_280 = vector.shape_cast %get3A_279 : vector<1x16xf32> to vector<16xf32>
        %mul3A_281 = arith.mulf %get3A_280, %broadcast_in_dim3A_202 : vector<16xf32>
        %swap3A_282 = arith.index_cast %add3A_206 : i32 to index
        %swap3A_283 = arith.constant 112 : index
        %swap3A_284 = tpu.vector_load %arg11[%swap3A_282, %swap3A_283] {strides = array<i32>} : memref<128x128xf32, #tpu.memory_space<vmem>>, vector<1x16xf32>,
        %swap3A_285 = vector.shape_cast %swap3A_284 : vector<1x16xf32> to vector<16xf32>
        %swap3A_286 = vector.shape_cast %mul3A_281 : vector<16xf32> to vector<1x16xf32>
        tpu.vector_store %arg11[%swap3A_282, %swap3A_283], %swap3A_286 {strides = array<i32>} : memref<128x128xf32, #tpu.memory_space<vmem>>, vector<1x16xf32>,
        %slice3A_287 = vector.extract_strided_slice %get3A_29 {offsets = [3], sizes = [1], strides = [1]} : vector<16xf32> to vector<1xf32>
        %squeeze3A_288 = vector.extract %slice3A_287[0] : f32 from vector<1xf32>
        %broadcast_in_dim3A_289 = vector.broadcast %squeeze3A_288 : f32 to vector<16xf32>
        %mul3A_290 = arith.constant 16 : i32
        %mul3A_291 = arith.muli %scan3A_25, %mul3A_290 : i32
        %add3A_292 = arith.constant 3 : i32
        %add3A_293 = arith.addi %mul3A_291, %add3A_292 : i32
        %get3A_294 = arith.index_cast %add3A_293 : i32 to index
        %get3A_295 = arith.constant 0 : index
        %get3A_296 = tpu.vector_load %arg11[%get3A_294, %get3A_295] {strides = array<i32>} : memref<128x128xf32, #tpu.memory_space<vmem>>, vector<1x16xf32>,
        %get3A_297 = vector.shape_cast %get3A_296 : vector<1x16xf32> to vector<16xf32>
        %mul3A_298 = arith.mulf %get3A_297, %broadcast_in_dim3A_289 : vector<16xf32>
        %swap3A_299 = arith.index_cast %add3A_293 : i32 to index
        %swap3A_300 = arith.constant 0 : index
        %swap3A_301 = tpu.vector_load %arg11[%swap3A_299, %swap3A_300] {strides = array<i32>} : memref<128x128xf32, #tpu.memory_space<vmem>>, vector<1x16xf32>,
        %swap3A_302 = vector.shape_cast %swap3A_301 : vector<1x16xf32> to vector<16xf32>
        %swap3A_303 = vector.shape_cast %mul3A_298 : vector<16xf32> to vector<1x16xf32>
        tpu.vector_store %arg11[%swap3A_299, %swap3A_300], %swap3A_303 {strides = array<i32>} : memref<128x128xf32, #tpu.memory_space<vmem>>, vector<1x16xf32>,
        %get3A_304 = arith.index_cast %add3A_293 : i32 to index
        %get3A_305 = arith.constant 16 : index
        %get3A_306 = tpu.vector_load %arg11[%get3A_304, %get3A_305] {strides = array<i32>} : memref<128x128xf32, #tpu.memory_space<vmem>>, vector<1x16xf32>,
        %get3A_307 = vector.shape_cast %get3A_306 : vector<1x16xf32> to vector<16xf32>
        %mul3A_308 = arith.mulf %get3A_307, %broadcast_in_dim3A_289 : vector<16xf32>
        %swap3A_309 = arith.index_cast %add3A_293 : i32 to index
        %swap3A_310 = arith.constant 16 : index
        %swap3A_311 = tpu.vector_load %arg11[%swap3A_309, %swap3A_310] {strides = array<i32>} : memref<128x128xf32, #tpu.memory_space<vmem>>, vector<1x16xf32>,
        %swap3A_312 = vector.shape_cast %swap3A_311 : vector<1x16xf32> to vector<16xf32>
        %swap3A_313 = vector.shape_cast %mul3A_308 : vector<16xf32> to vector<1x16xf32>
        tpu.vector_store %arg11[%swap3A_309, %swap3A_310], %swap3A_313 {strides = array<i32>} : memref<128x128xf32, #tpu.memory_space<vmem>>, vector<1x16xf32>,
        %get3A_314 = arith.index_cast %add3A_293 : i32 to index
        %get3A_315 = arith.constant 32 : index
        %get3A_316 = tpu.vector_load %arg11[%get3A_314, %get3A_315] {strides = array<i32>} : memref<128x128xf32, #tpu.memory_space<vmem>>, vector<1x16xf32>,
        %get3A_317 = vector.shape_cast %get3A_316 : vector<1x16xf32> to vector<16xf32>
        %mul3A_318 = arith.mulf %get3A_317, %broadcast_in_dim3A_289 : vector<16xf32>
        %swap3A_319 = arith.index_cast %add3A_293 : i32 to index
        %swap3A_320 = arith.constant 32 : index
        %swap3A_321 = tpu.vector_load %arg11[%swap3A_319, %swap3A_320] {strides = array<i32>} : memref<128x128xf32, #tpu.memory_space<vmem>>, vector<1x16xf32>,
        %swap3A_322 = vector.shape_cast %swap3A_321 : vector<1x16xf32> to vector<16xf32>
        %swap3A_323 = vector.shape_cast %mul3A_318 : vector<16xf32> to vector<1x16xf32>
        tpu.vector_store %arg11[%swap3A_319, %swap3A_320], %swap3A_323 {strides = array<i32>} : memref<128x128xf32, #tpu.memory_space<vmem>>, vector<1x16xf32>,
        %get3A_324 = arith.index_cast %add3A_293 : i32 to index
        %get3A_325 = arith.constant 48 : index
        %get3A_326 = tpu.vector_load %arg11[%get3A_324, %get3A_325] {strides = array<i32>} : memref<128x128xf32, #tpu.memory_space<vmem>>, vector<1x16xf32>,
        %get3A_327 = vector.shape_cast %get3A_326 : vector<1x16xf32> to vector<16xf32>
        %mul3A_328 = arith.mulf %get3A_327, %broadcast_in_dim3A_289 : vector<16xf32>
        %swap3A_329 = arith.index_cast %add3A_293 : i32 to index
        %swap3A_330 = arith.constant 48 : index
        %swap3A_331 = tpu.vector_load %arg11[%swap3A_329, %swap3A_330] {strides = array<i32>} : memref<128x128xf32, #tpu.memory_space<vmem>>, vector<1x16xf32>,
        %swap3A_332 = vector.shape_cast %swap3A_331 : vector<1x16xf32> to vector<16xf32>
        %swap3A_333 = vector.shape_cast %mul3A_328 : vector<16xf32> to vector<1x16xf32>
        tpu.vector_store %arg11[%swap3A_329, %swap3A_330], %swap3A_333 {strides = array<i32>} : memref<128x128xf32, #tpu.memory_space<vmem>>, vector<1x16xf32>,
        %get3A_334 = arith.index_cast %add3A_293 : i32 to index
        %get3A_335 = arith.constant 64 : index
        %get3A_336 = tpu.vector_load %arg11[%get3A_334, %get3A_335] {strides = array<i32>} : memref<128x128xf32, #tpu.memory_space<vmem>>, vector<1x16xf32>,
        %get3A_337 = vector.shape_cast %get3A_336 : vector<1x16xf32> to vector<16xf32>
        %mul3A_338 = arith.mulf %get3A_337, %broadcast_in_dim3A_289 : vector<16xf32>
        %swap3A_339 = arith.index_cast %add3A_293 : i32 to index
        %swap3A_340 = arith.constant 64 : index
        %swap3A_341 = tpu.vector_load %arg11[%swap3A_339, %swap3A_340] {strides = array<i32>} : memref<128x128xf32, #tpu.memory_space<vmem>>, vector<1x16xf32>,
        %swap3A_342 = vector.shape_cast %swap3A_341 : vector<1x16xf32> to vector<16xf32>
        %swap3A_343 = vector.shape_cast %mul3A_338 : vector<16xf32> to vector<1x16xf32>
        tpu.vector_store %arg11[%swap3A_339, %swap3A_340], %swap3A_343 {strides = array<i32>} : memref<128x128xf32, #tpu.memory_space<vmem>>, vector<1x16xf32>,
        %get3A_344 = arith.index_cast %add3A_293 : i32 to index
        %get3A_345 = arith.constant 80 : index
        %get3A_346 = tpu.vector_load %arg11[%get3A_344, %get3A_345] {strides = array<i32>} : memref<128x128xf32, #tpu.memory_space<vmem>>, vector<1x16xf32>,
        %get3A_347 = vector.shape_cast %get3A_346 : vector<1x16xf32> to vector<16xf32>
        %mul3A_348 = arith.mulf %get3A_347, %broadcast_in_dim3A_289 : vector<16xf32>
        %swap3A_349 = arith.index_cast %add3A_293 : i32 to index
        %swap3A_350 = arith.constant 80 : index
        %swap3A_351 = tpu.vector_load %arg11[%swap3A_349, %swap3A_350] {strides = array<i32>} : memref<128x128xf32, #tpu.memory_space<vmem>>, vector<1x16xf32>,
        %swap3A_352 = vector.shape_cast %swap3A_351 : vector<1x16xf32> to vector<16xf32>
        %swap3A_353 = vector.shape_cast %mul3A_348 : vector<16xf32> to vector<1x16xf32>
        tpu.vector_store %arg11[%swap3A_349, %swap3A_350], %swap3A_353 {strides = array<i32>} : memref<128x128xf32, #tpu.memory_space<vmem>>, vector<1x16xf32>,
        %get3A_354 = arith.index_cast %add3A_293 : i32 to index
        %get3A_355 = arith.constant 96 : index
        %get3A_356 = tpu.vector_load %arg11[%get3A_354, %get3A_355] {strides = array<i32>} : memref<128x128xf32, #tpu.memory_space<vmem>>, vector<1x16xf32>,
        %get3A_357 = vector.shape_cast %get3A_356 : vector<1x16xf32> to vector<16xf32>
        %mul3A_358 = arith.mulf %get3A_357, %broadcast_in_dim3A_289 : vector<16xf32>
        %swap3A_359 = arith.index_cast %add3A_293 : i32 to index
        %swap3A_360 = arith.constant 96 : index
        %swap3A_361 = tpu.vector_load %arg11[%swap3A_359, %swap3A_360] {strides = array<i32>} : memref<128x128xf32, #tpu.memory_space<vmem>>, vector<1x16xf32>,
        %swap3A_362 = vector.shape_cast %swap3A_361 : vector<1x16xf32> to vector<16xf32>
        %swap3A_363 = vector.shape_cast %mul3A_358 : vector<16xf32> to vector<1x16xf32>
        tpu.vector_store %arg11[%swap3A_359, %swap3A_360], %swap3A_363 {strides = array<i32>} : memref<128x128xf32, #tpu.memory_space<vmem>>, vector<1x16xf32>,
        %get3A_364 = arith.index_cast %add3A_293 : i32 to index
        %get3A_365 = arith.constant 112 : index
        %get3A_366 = tpu.vector_load %arg11[%get3A_364, %get3A_365] {strides = array<i32>} : memref<128x128xf32, #tpu.memory_space<vmem>>, vector<1x16xf32>,
        %get3A_367 = vector.shape_cast %get3A_366 : vector<1x16xf32> to vector<16xf32>
        %mul3A_368 = arith.mulf %get3A_367, %broadcast_in_dim3A_289 : vector<16xf32>
        %swap3A_369 = arith.index_cast %add3A_293 : i32 to index
        %swap3A_370 = arith.constant 112 : index
        %swap3A_371 = tpu.vector_load %arg11[%swap3A_369, %swap3A_370] {strides = array<i32>} : memref<128x128xf32, #tpu.memory_space<vmem>>, vector<1x16xf32>,
        %swap3A_372 = vector.shape_cast %swap3A_371 : vector<1x16xf32> to vector<16xf32>
        %swap3A_373 = vector.shape_cast %mul3A_368 : vector<16xf32> to vector<1x16xf32>
        tpu.vector_store %arg11[%swap3A_369, %swap3A_370], %swap3A_373 {strides = array<i32>} : memref<128x128xf32, #tpu.memory_space<vmem>>, vector<1x16xf32>,
        %slice3A_374 = vector.extract_strided_slice %get3A_29 {offsets = [4], sizes = [1], strides = [1]} : vector<16xf32> to vector<1xf32>
        %squeeze3A_375 = vector.extract %slice3A_374[0] : f32 from vector<1xf32>
        %broadcast_in_dim3A_376 = vector.broadcast %squeeze3A_375 : f32 to vector<16xf32>
        %mul3A_377 = arith.constant 16 : i32
        %mul3A_378 = arith.muli %scan3A_25, %mul3A_377 : i32
        %add3A_379 = arith.constant 4 : i32
        %add3A_380 = arith.addi %mul3A_378, %add3A_379 : i32
        %get3A_381 = arith.index_cast %add3A_380 : i32 to index
        %get3A_382 = arith.constant 0 : index
        %get3A_383 = tpu.vector_load %arg11[%get3A_381, %get3A_382] {strides = array<i32>} : memref<128x128xf32, #tpu.memory_space<vmem>>, vector<1x16xf32>,
        %get3A_384 = vector.shape_cast %get3A_383 : vector<1x16xf32> to vector<16xf32>
        %mul3A_385 = arith.mulf %get3A_384, %broadcast_in_dim3A_376 : vector<16xf32>
        %swap3A_386 = arith.index_cast %add3A_380 : i32 to index
        %swap3A_387 = arith.constant 0 : index
        %swap3A_388 = tpu.vector_load %arg11[%swap3A_386, %swap3A_387] {strides = array<i32>} : memref<128x128xf32, #tpu.memory_space<vmem>>, vector<1x16xf32>,
        %swap3A_389 = vector.shape_cast %swap3A_388 : vector<1x16xf32> to vector<16xf32>
        %swap3A_390 = vector.shape_cast %mul3A_385 : vector<16xf32> to vector<1x16xf32>
        tpu.vector_store %arg11[%swap3A_386, %swap3A_387], %swap3A_390 {strides = array<i32>} : memref<128x128xf32, #tpu.memory_space<vmem>>, vector<1x16xf32>,
        %get3A_391 = arith.index_cast %add3A_380 : i32 to index
        %get3A_392 = arith.constant 16 : index
        %get3A_393 = tpu.vector_load %arg11[%get3A_391, %get3A_392] {strides = array<i32>} : memref<128x128xf32, #tpu.memory_space<vmem>>, vector<1x16xf32>,
        %get3A_394 = vector.shape_cast %get3A_393 : vector<1x16xf32> to vector<16xf32>
        %mul3A_395 = arith.mulf %get3A_394, %broadcast_in_dim3A_376 : vector<16xf32>
        %swap3A_396 = arith.index_cast %add3A_380 : i32 to index
        %swap3A_397 = arith.constant 16 : index
        %swap3A_398 = tpu.vector_load %arg11[%swap3A_396, %swap3A_397] {strides = array<i32>} : memref<128x128xf32, #tpu.memory_space<vmem>>, vector<1x16xf32>,
        %swap3A_399 = vector.shape_cast %swap3A_398 : vector<1x16xf32> to vector<16xf32>
        %swap3A_400 = vector.shape_cast %mul3A_395 : vector<16xf32> to vector<1x16xf32>
        tpu.vector_store %arg11[%swap3A_396, %swap3A_397], %swap3A_400 {strides = array<i32>} : memref<128x128xf32, #tpu.memory_space<vmem>>, vector<1x16xf32>,
        %get3A_401 = arith.index_cast %add3A_380 : i32 to index
        %get3A_402 = arith.constant 32 : index
        %get3A_403 = tpu.vector_load %arg11[%get3A_401, %get3A_402] {strides = array<i32>} : memref<128x128xf32, #tpu.memory_space<vmem>>, vector<1x16xf32>,
        %get3A_404 = vector.shape_cast %get3A_403 : vector<1x16xf32> to vector<16xf32>
        %mul3A_405 = arith.mulf %get3A_404, %broadcast_in_dim3A_376 : vector<16xf32>
        %swap3A_406 = arith.index_cast %add3A_380 : i32 to index
        %swap3A_407 = arith.constant 32 : index
        %swap3A_408 = tpu.vector_load %arg11[%swap3A_406, %swap3A_407] {strides = array<i32>} : memref<128x128xf32, #tpu.memory_space<vmem>>, vector<1x16xf32>,
        %swap3A_409 = vector.shape_cast %swap3A_408 : vector<1x16xf32> to vector<16xf32>
        %swap3A_410 = vector.shape_cast %mul3A_405 : vector<16xf32> to vector<1x16xf32>
        tpu.vector_store %arg11[%swap3A_406, %swap3A_407], %swap3A_410 {strides = array<i32>} : memref<128x128xf32, #tpu.memory_space<vmem>>, vector<1x16xf32>,
        %get3A_411 = arith.index_cast %add3A_380 : i32 to index
        %get3A_412 = arith.constant 48 : index
        %get3A_413 = tpu.vector_load %arg11[%get3A_411, %get3A_412] {strides = array<i32>} : memref<128x128xf32, #tpu.memory_space<vmem>>, vector<1x16xf32>,
        %get3A_414 = vector.shape_cast %get3A_413 : vector<1x16xf32> to vector<16xf32>
        %mul3A_415 = arith.mulf %get3A_414, %broadcast_in_dim3A_376 : vector<16xf32>
        %swap3A_416 = arith.index_cast %add3A_380 : i32 to index
        %swap3A_417 = arith.constant 48 : index
        %swap3A_418 = tpu.vector_load %arg11[%swap3A_416, %swap3A_417] {strides = array<i32>} : memref<128x128xf32, #tpu.memory_space<vmem>>, vector<1x16xf32>,
        %swap3A_419 = vector.shape_cast %swap3A_418 : vector<1x16xf32> to vector<16xf32>
        %swap3A_420 = vector.shape_cast %mul3A_415 : vector<16xf32> to vector<1x16xf32>
        tpu.vector_store %arg11[%swap3A_416, %swap3A_417], %swap3A_420 {strides = array<i32>} : memref<128x128xf32, #tpu.memory_space<vmem>>, vector<1x16xf32>,
        %get3A_421 = arith.index_cast %add3A_380 : i32 to index
        %get3A_422 = arith.constant 64 : index
        %get3A_423 = tpu.vector_load %arg11[%get3A_421, %get3A_422] {strides = array<i32>} : memref<128x128xf32, #tpu.memory_space<vmem>>, vector<1x16xf32>,
        %get3A_424 = vector.shape_cast %get3A_423 : vector<1x16xf32> to vector<16xf32>
        %mul3A_425 = arith.mulf %get3A_424, %broadcast_in_dim3A_376 : vector<16xf32>
        %swap3A_426 = arith.index_cast %add3A_380 : i32 to index
        %swap3A_427 = arith.constant 64 : index
        %swap3A_428 = tpu.vector_load %arg11[%swap3A_426, %swap3A_427] {strides = array<i32>} : memref<128x128xf32, #tpu.memory_space<vmem>>, vector<1x16xf32>,
        %swap3A_429 = vector.shape_cast %swap3A_428 : vector<1x16xf32> to vector<16xf32>
        %swap3A_430 = vector.shape_cast %mul3A_425 : vector<16xf32> to vector<1x16xf32>
        tpu.vector_store %arg11[%swap3A_426, %swap3A_427], %swap3A_430 {strides = array<i32>} : memref<128x128xf32, #tpu.memory_space<vmem>>, vector<1x16xf32>,
        %get3A_431 = arith.index_cast %add3A_380 : i32 to index
        %get3A_432 = arith.constant 80 : index
        %get3A_433 = tpu.vector_load %arg11[%get3A_431, %get3A_432] {strides = array<i32>} : memref<128x128xf32, #tpu.memory_space<vmem>>, vector<1x16xf32>,
        %get3A_434 = vector.shape_cast %get3A_433 : vector<1x16xf32> to vector<16xf32>
        %mul3A_435 = arith.mulf %get3A_434, %broadcast_in_dim3A_376 : vector<16xf32>
        %swap3A_436 = arith.index_cast %add3A_380 : i32 to index
        %swap3A_437 = arith.constant 80 : index
        %swap3A_438 = tpu.vector_load %arg11[%swap3A_436, %swap3A_437] {strides = array<i32>} : memref<128x128xf32, #tpu.memory_space<vmem>>, vector<1x16xf32>,
        %swap3A_439 = vector.shape_cast %swap3A_438 : vector<1x16xf32> to vector<16xf32>
        %swap3A_440 = vector.shape_cast %mul3A_435 : vector<16xf32> to vector<1x16xf32>
        tpu.vector_store %arg11[%swap3A_436, %swap3A_437], %swap3A_440 {strides = array<i32>} : memref<128x128xf32, #tpu.memory_space<vmem>>, vector<1x16xf32>,
        %get3A_441 = arith.index_cast %add3A_380 : i32 to index
        %get3A_442 = arith.constant 96 : index
        %get3A_443 = tpu.vector_load %arg11[%get3A_441, %get3A_442] {strides = array<i32>} : memref<128x128xf32, #tpu.memory_space<vmem>>, vector<1x16xf32>,
        %get3A_444 = vector.shape_cast %get3A_443 : vector<1x16xf32> to vector<16xf32>
        %mul3A_445 = arith.mulf %get3A_444, %broadcast_in_dim3A_376 : vector<16xf32>
        %swap3A_446 = arith.index_cast %add3A_380 : i32 to index
        %swap3A_447 = arith.constant 96 : index
        %swap3A_448 = tpu.vector_load %arg11[%swap3A_446, %swap3A_447] {strides = array<i32>} : memref<128x128xf32, #tpu.memory_space<vmem>>, vector<1x16xf32>,
        %swap3A_449 = vector.shape_cast %swap3A_448 : vector<1x16xf32> to vector<16xf32>
        %swap3A_450 = vector.shape_cast %mul3A_445 : vector<16xf32> to vector<1x16xf32>
        tpu.vector_store %arg11[%swap3A_446, %swap3A_447], %swap3A_450 {strides = array<i32>} : memref<128x128xf32, #tpu.memory_space<vmem>>, vector<1x16xf32>,
        %get3A_451 = arith.index_cast %add3A_380 : i32 to index
        %get3A_452 = arith.constant 112 : index
        %get3A_453 = tpu.vector_load %arg11[%get3A_451, %get3A_452] {strides = array<i32>} : memref<128x128xf32, #tpu.memory_space<vmem>>, vector<1x16xf32>,
        %get3A_454 = vector.shape_cast %get3A_453 : vector<1x16xf32> to vector<16xf32>
        %mul3A_455 = arith.mulf %get3A_454, %broadcast_in_dim3A_376 : vector<16xf32>
        %swap3A_456 = arith.index_cast %add3A_380 : i32 to index
        %swap3A_457 = arith.constant 112 : index
        %swap3A_458 = tpu.vector_load %arg11[%swap3A_456, %swap3A_457] {strides = array<i32>} : memref<128x128xf32, #tpu.memory_space<vmem>>, vector<1x16xf32>,
        %swap3A_459 = vector.shape_cast %swap3A_458 : vector<1x16xf32> to vector<16xf32>
        %swap3A_460 = vector.shape_cast %mul3A_455 : vector<16xf32> to vector<1x16xf32>
        tpu.vector_store %arg11[%swap3A_456, %swap3A_457], %swap3A_460 {strides = array<i32>} : memref<128x128xf32, #tpu.memory_space<vmem>>, vector<1x16xf32>,
        %slice3A_461 = vector.extract_strided_slice %get3A_29 {offsets = [5], sizes = [1], strides = [1]} : vector<16xf32> to vector<1xf32>
        %squeeze3A_462 = vector.extract %slice3A_461[0] : f32 from vector<1xf32>
        %broadcast_in_dim3A_463 = vector.broadcast %squeeze3A_462 : f32 to vector<16xf32>
        %mul3A_464 = arith.constant 16 : i32
        %mul3A_465 = arith.muli %scan3A_25, %mul3A_464 : i32
        %add3A_466 = arith.constant 5 : i32
        %add3A_467 = arith.addi %mul3A_465, %add3A_466 : i32
        %get3A_468 = arith.index_cast %add3A_467 : i32 to index
        %get3A_469 = arith.constant 0 : index
        %get3A_470 = tpu.vector_load %arg11[%get3A_468, %get3A_469] {strides = array<i32>} : memref<128x128xf32, #tpu.memory_space<vmem>>, vector<1x16xf32>,
        %get3A_471 = vector.shape_cast %get3A_470 : vector<1x16xf32> to vector<16xf32>
        %mul3A_472 = arith.mulf %get3A_471, %broadcast_in_dim3A_463 : vector<16xf32>
        %swap3A_473 = arith.index_cast %add3A_467 : i32 to index
        %swap3A_474 = arith.constant 0 : index
        %swap3A_475 = tpu.vector_load %arg11[%swap3A_473, %swap3A_474] {strides = array<i32>} : memref<128x128xf32, #tpu.memory_space<vmem>>, vector<1x16xf32>,
        %swap3A_476 = vector.shape_cast %swap3A_475 : vector<1x16xf32> to vector<16xf32>
        %swap3A_477 = vector.shape_cast %mul3A_472 : vector<16xf32> to vector<1x16xf32>
        tpu.vector_store %arg11[%swap3A_473, %swap3A_474], %swap3A_477 {strides = array<i32>} : memref<128x128xf32, #tpu.memory_space<vmem>>, vector<1x16xf32>,
        %get3A_478 = arith.index_cast %add3A_467 : i32 to index
        %get3A_479 = arith.constant 16 : index
        %get3A_480 = tpu.vector_load %arg11[%get3A_478, %get3A_479] {strides = array<i32>} : memref<128x128xf32, #tpu.memory_space<vmem>>, vector<1x16xf32>,
        %get3A_481 = vector.shape_cast %get3A_480 : vector<1x16xf32> to vector<16xf32>
        %mul3A_482 = arith.mulf %get3A_481, %broadcast_in_dim3A_463 : vector<16xf32>
        %swap3A_483 = arith.index_cast %add3A_467 : i32 to index
        %swap3A_484 = arith.constant 16 : index
        %swap3A_485 = tpu.vector_load %arg11[%swap3A_483, %swap3A_484] {strides = array<i32>} : memref<128x128xf32, #tpu.memory_space<vmem>>, vector<1x16xf32>,
        %swap3A_486 = vector.shape_cast %swap3A_485 : vector<1x16xf32> to vector<16xf32>
        %swap3A_487 = vector.shape_cast %mul3A_482 : vector<16xf32> to vector<1x16xf32>
        tpu.vector_store %arg11[%swap3A_483, %swap3A_484], %swap3A_487 {strides = array<i32>} : memref<128x128xf32, #tpu.memory_space<vmem>>, vector<1x16xf32>,
        %get3A_488 = arith.index_cast %add3A_467 : i32 to index
        %get3A_489 = arith.constant 32 : index
        %get3A_490 = tpu.vector_load %arg11[%get3A_488, %get3A_489] {strides = array<i32>} : memref<128x128xf32, #tpu.memory_space<vmem>>, vector<1x16xf32>,
        %get3A_491 = vector.shape_cast %get3A_490 : vector<1x16xf32> to vector<16xf32>
        %mul3A_492 = arith.mulf %get3A_491, %broadcast_in_dim3A_463 : vector<16xf32>
        %swap3A_493 = arith.index_cast %add3A_467 : i32 to index
        %swap3A_494 = arith.constant 32 : index
        %swap3A_495 = tpu.vector_load %arg11[%swap3A_493, %swap3A_494] {strides = array<i32>} : memref<128x128xf32, #tpu.memory_space<vmem>>, vector<1x16xf32>,
        %swap3A_496 = vector.shape_cast %swap3A_495 : vector<1x16xf32> to vector<16xf32>
        %swap3A_497 = vector.shape_cast %mul3A_492 : vector<16xf32> to vector<1x16xf32>
        tpu.vector_store %arg11[%swap3A_493, %swap3A_494], %swap3A_497 {strides = array<i32>} : memref<128x128xf32, #tpu.memory_space<vmem>>, vector<1x16xf32>,
        %get3A_498 = arith.index_cast %add3A_467 : i32 to index
        %get3A_499 = arith.constant 48 : index
        %get3A_500 = tpu.vector_load %arg11[%get3A_498, %get3A_499] {strides = array<i32>} : memref<128x128xf32, #tpu.memory_space<vmem>>, vector<1x16xf32>,
        %get3A_501 = vector.shape_cast %get3A_500 : vector<1x16xf32> to vector<16xf32>
        %mul3A_502 = arith.mulf %get3A_501, %broadcast_in_dim3A_463 : vector<16xf32>
        %swap3A_503 = arith.index_cast %add3A_467 : i32 to index
        %swap3A_504 = arith.constant 48 : index
        %swap3A_505 = tpu.vector_load %arg11[%swap3A_503, %swap3A_504] {strides = array<i32>} : memref<128x128xf32, #tpu.memory_space<vmem>>, vector<1x16xf32>,
        %swap3A_506 = vector.shape_cast %swap3A_505 : vector<1x16xf32> to vector<16xf32>
        %swap3A_507 = vector.shape_cast %mul3A_502 : vector<16xf32> to vector<1x16xf32>
        tpu.vector_store %arg11[%swap3A_503, %swap3A_504], %swap3A_507 {strides = array<i32>} : memref<128x128xf32, #tpu.memory_space<vmem>>, vector<1x16xf32>,
        %get3A_508 = arith.index_cast %add3A_467 : i32 to index
        %get3A_509 = arith.constant 64 : index
        %get3A_510 = tpu.vector_load %arg11[%get3A_508, %get3A_509] {strides = array<i32>} : memref<128x128xf32, #tpu.memory_space<vmem>>, vector<1x16xf32>,
        %get3A_511 = vector.shape_cast %get3A_510 : vector<1x16xf32> to vector<16xf32>
        %mul3A_512 = arith.mulf %get3A_511, %broadcast_in_dim3A_463 : vector<16xf32>
        %swap3A_513 = arith.index_cast %add3A_467 : i32 to index
        %swap3A_514 = arith.constant 64 : index
        %swap3A_515 = tpu.vector_load %arg11[%swap3A_513, %swap3A_514] {strides = array<i32>} : memref<128x128xf32, #tpu.memory_space<vmem>>, vector<1x16xf32>,
        %swap3A_516 = vector.shape_cast %swap3A_515 : vector<1x16xf32> to vector<16xf32>
        %swap3A_517 = vector.shape_cast %mul3A_512 : vector<16xf32> to vector<1x16xf32>
        tpu.vector_store %arg11[%swap3A_513, %swap3A_514], %swap3A_517 {strides = array<i32>} : memref<128x128xf32, #tpu.memory_space<vmem>>, vector<1x16xf32>,
        %get3A_518 = arith.index_cast %add3A_467 : i32 to index
        %get3A_519 = arith.constant 80 : index
        %get3A_520 = tpu.vector_load %arg11[%get3A_518, %get3A_519] {strides = array<i32>} : memref<128x128xf32, #tpu.memory_space<vmem>>, vector<1x16xf32>,
        %get3A_521 = vector.shape_cast %get3A_520 : vector<1x16xf32> to vector<16xf32>
        %mul3A_522 = arith.mulf %get3A_521, %broadcast_in_dim3A_463 : vector<16xf32>
        %swap3A_523 = arith.index_cast %add3A_467 : i32 to index
        %swap3A_524 = arith.constant 80 : index
        %swap3A_525 = tpu.vector_load %arg11[%swap3A_523, %swap3A_524] {strides = array<i32>} : memref<128x128xf32, #tpu.memory_space<vmem>>, vector<1x16xf32>,
        %swap3A_526 = vector.shape_cast %swap3A_525 : vector<1x16xf32> to vector<16xf32>
        %swap3A_527 = vector.shape_cast %mul3A_522 : vector<16xf32> to vector<1x16xf32>
        tpu.vector_store %arg11[%swap3A_523, %swap3A_524], %swap3A_527 {strides = array<i32>} : memref<128x128xf32, #tpu.memory_space<vmem>>, vector<1x16xf32>,
        %get3A_528 = arith.index_cast %add3A_467 : i32 to index
        %get3A_529 = arith.constant 96 : index
        %get3A_530 = tpu.vector_load %arg11[%get3A_528, %get3A_529] {strides = array<i32>} : memref<128x128xf32, #tpu.memory_space<vmem>>, vector<1x16xf32>,
        %get3A_531 = vector.shape_cast %get3A_530 : vector<1x16xf32> to vector<16xf32>
        %mul3A_532 = arith.mulf %get3A_531, %broadcast_in_dim3A_463 : vector<16xf32>
        %swap3A_533 = arith.index_cast %add3A_467 : i32 to index
        %swap3A_534 = arith.constant 96 : index
        %swap3A_535 = tpu.vector_load %arg11[%swap3A_533, %swap3A_534] {strides = array<i32>} : memref<128x128xf32, #tpu.memory_space<vmem>>, vector<1x16xf32>,
        %swap3A_536 = vector.shape_cast %swap3A_535 : vector<1x16xf32> to vector<16xf32>
        %swap3A_537 = vector.shape_cast %mul3A_532 : vector<16xf32> to vector<1x16xf32>
        tpu.vector_store %arg11[%swap3A_533, %swap3A_534], %swap3A_537 {strides = array<i32>} : memref<128x128xf32, #tpu.memory_space<vmem>>, vector<1x16xf32>,
        %get3A_538 = arith.index_cast %add3A_467 : i32 to index
        %get3A_539 = arith.constant 112 : index
        %get3A_540 = tpu.vector_load %arg11[%get3A_538, %get3A_539] {strides = array<i32>} : memref<128x128xf32, #tpu.memory_space<vmem>>, vector<1x16xf32>,
        %get3A_541 = vector.shape_cast %get3A_540 : vector<1x16xf32> to vector<16xf32>
        %mul3A_542 = arith.mulf %get3A_541, %broadcast_in_dim3A_463 : vector<16xf32>
        %swap3A_543 = arith.index_cast %add3A_467 : i32 to index
        %swap3A_544 = arith.constant 112 : index
        %swap3A_545 = tpu.vector_load %arg11[%swap3A_543, %swap3A_544] {strides = array<i32>} : memref<128x128xf32, #tpu.memory_space<vmem>>, vector<1x16xf32>,
        %swap3A_546 = vector.shape_cast %swap3A_545 : vector<1x16xf32> to vector<16xf32>
        %swap3A_547 = vector.shape_cast %mul3A_542 : vector<16xf32> to vector<1x16xf32>
        tpu.vector_store %arg11[%swap3A_543, %swap3A_544], %swap3A_547 {strides = array<i32>} : memref<128x128xf32, #tpu.memory_space<vmem>>, vector<1x16xf32>,
        %slice3A_548 = vector.extract_strided_slice %get3A_29 {offsets = [6], sizes = [1], strides = [1]} : vector<16xf32> to vector<1xf32>
        %squeeze3A_549 = vector.extract %slice3A_548[0] : f32 from vector<1xf32>
        %broadcast_in_dim3A_550 = vector.broadcast %squeeze3A_549 : f32 to vector<16xf32>
        %mul3A_551 = arith.constant 16 : i32
        %mul3A_552 = arith.muli %scan3A_25, %mul3A_551 : i32
        %add3A_553 = arith.constant 6 : i32
        %add3A_554 = arith.addi %mul3A_552, %add3A_553 : i32
        %get3A_555 = arith.index_cast %add3A_554 : i32 to index
        %get3A_556 = arith.constant 0 : index
        %get3A_557 = tpu.vector_load %arg11[%get3A_555, %get3A_556] {strides = array<i32>} : memref<128x128xf32, #tpu.memory_space<vmem>>, vector<1x16xf32>,
        %get3A_558 = vector.shape_cast %get3A_557 : vector<1x16xf32> to vector<16xf32>
        %mul3A_559 = arith.mulf %get3A_558, %broadcast_in_dim3A_550 : vector<16xf32>
        %swap3A_560 = arith.index_cast %add3A_554 : i32 to index
        %swap3A_561 = arith.constant 0 : index
        %swap3A_562 = tpu.vector_load %arg11[%swap3A_560, %swap3A_561] {strides = array<i32>} : memref<128x128xf32, #tpu.memory_space<vmem>>, vector<1x16xf32>,
        %swap3A_563 = vector.shape_cast %swap3A_562 : vector<1x16xf32> to vector<16xf32>
        %swap3A_564 = vector.shape_cast %mul3A_559 : vector<16xf32> to vector<1x16xf32>
        tpu.vector_store %arg11[%swap3A_560, %swap3A_561], %swap3A_564 {strides = array<i32>} : memref<128x128xf32, #tpu.memory_space<vmem>>, vector<1x16xf32>,
        %get3A_565 = arith.index_cast %add3A_554 : i32 to index
        %get3A_566 = arith.constant 16 : index
        %get3A_567 = tpu.vector_load %arg11[%get3A_565, %get3A_566] {strides = array<i32>} : memref<128x128xf32, #tpu.memory_space<vmem>>, vector<1x16xf32>,
        %get3A_568 = vector.shape_cast %get3A_567 : vector<1x16xf32> to vector<16xf32>
        %mul3A_569 = arith.mulf %get3A_568, %broadcast_in_dim3A_550 : vector<16xf32>
        %swap3A_570 = arith.index_cast %add3A_554 : i32 to index
        %swap3A_571 = arith.constant 16 : index
        %swap3A_572 = tpu.vector_load %arg11[%swap3A_570, %swap3A_571] {strides = array<i32>} : memref<128x128xf32, #tpu.memory_space<vmem>>, vector<1x16xf32>,
        %swap3A_573 = vector.shape_cast %swap3A_572 : vector<1x16xf32> to vector<16xf32>
        %swap3A_574 = vector.shape_cast %mul3A_569 : vector<16xf32> to vector<1x16xf32>
        tpu.vector_store %arg11[%swap3A_570, %swap3A_571], %swap3A_574 {strides = array<i32>} : memref<128x128xf32, #tpu.memory_space<vmem>>, vector<1x16xf32>,
        %get3A_575 = arith.index_cast %add3A_554 : i32 to index
        %get3A_576 = arith.constant 32 : index
        %get3A_577 = tpu.vector_load %arg11[%get3A_575, %get3A_576] {strides = array<i32>} : memref<128x128xf32, #tpu.memory_space<vmem>>, vector<1x16xf32>,
        %get3A_578 = vector.shape_cast %get3A_577 : vector<1x16xf32> to vector<16xf32>
        %mul3A_579 = arith.mulf %get3A_578, %broadcast_in_dim3A_550 : vector<16xf32>
        %swap3A_580 = arith.index_cast %add3A_554 : i32 to index
        %swap3A_581 = arith.constant 32 : index
        %swap3A_582 = tpu.vector_load %arg11[%swap3A_580, %swap3A_581] {strides = array<i32>} : memref<128x128xf32, #tpu.memory_space<vmem>>, vector<1x16xf32>,
        %swap3A_583 = vector.shape_cast %swap3A_582 : vector<1x16xf32> to vector<16xf32>
        %swap3A_584 = vector.shape_cast %mul3A_579 : vector<16xf32> to vector<1x16xf32>
        tpu.vector_store %arg11[%swap3A_580, %swap3A_581], %swap3A_584 {strides = array<i32>} : memref<128x128xf32, #tpu.memory_space<vmem>>, vector<1x16xf32>,
        %get3A_585 = arith.index_cast %add3A_554 : i32 to index
        %get3A_586 = arith.constant 48 : index
        %get3A_587 = tpu.vector_load %arg11[%get3A_585, %get3A_586] {strides = array<i32>} : memref<128x128xf32, #tpu.memory_space<vmem>>, vector<1x16xf32>,
        %get3A_588 = vector.shape_cast %get3A_587 : vector<1x16xf32> to vector<16xf32>
        %mul3A_589 = arith.mulf %get3A_588, %broadcast_in_dim3A_550 : vector<16xf32>
        %swap3A_590 = arith.index_cast %add3A_554 : i32 to index
        %swap3A_591 = arith.constant 48 : index
        %swap3A_592 = tpu.vector_load %arg11[%swap3A_590, %swap3A_591] {strides = array<i32>} : memref<128x128xf32, #tpu.memory_space<vmem>>, vector<1x16xf32>,
        %swap3A_593 = vector.shape_cast %swap3A_592 : vector<1x16xf32> to vector<16xf32>
        %swap3A_594 = vector.shape_cast %mul3A_589 : vector<16xf32> to vector<1x16xf32>
        tpu.vector_store %arg11[%swap3A_590, %swap3A_591], %swap3A_594 {strides = array<i32>} : memref<128x128xf32, #tpu.memory_space<vmem>>, vector<1x16xf32>,
        %get3A_595 = arith.index_cast %add3A_554 : i32 to index
        %get3A_596 = arith.constant 64 : index
        %get3A_597 = tpu.vector_load %arg11[%get3A_595, %get3A_596] {strides = array<i32>} : memref<128x128xf32, #tpu.memory_space<vmem>>, vector<1x16xf32>,
        %get3A_598 = vector.shape_cast %get3A_597 : vector<1x16xf32> to vector<16xf32>
        %mul3A_599 = arith.mulf %get3A_598, %broadcast_in_dim3A_550 : vector<16xf32>
        %swap3A_600 = arith.index_cast %add3A_554 : i32 to index
        %swap3A_601 = arith.constant 64 : index
        %swap3A_602 = tpu.vector_load %arg11[%swap3A_600, %swap3A_601] {strides = array<i32>} : memref<128x128xf32, #tpu.memory_space<vmem>>, vector<1x16xf32>,
        %swap3A_603 = vector.shape_cast %swap3A_602 : vector<1x16xf32> to vector<16xf32>
        %swap3A_604 = vector.shape_cast %mul3A_599 : vector<16xf32> to vector<1x16xf32>
        tpu.vector_store %arg11[%swap3A_600, %swap3A_601], %swap3A_604 {strides = array<i32>} : memref<128x128xf32, #tpu.memory_space<vmem>>, vector<1x16xf32>,
        %get3A_605 = arith.index_cast %add3A_554 : i32 to index
        %get3A_606 = arith.constant 80 : index
        %get3A_607 = tpu.vector_load %arg11[%get3A_605, %get3A_606] {strides = array<i32>} : memref<128x128xf32, #tpu.memory_space<vmem>>, vector<1x16xf32>,
        %get3A_608 = vector.shape_cast %get3A_607 : vector<1x16xf32> to vector<16xf32>
        %mul3A_609 = arith.mulf %get3A_608, %broadcast_in_dim3A_550 : vector<16xf32>
        %swap3A_610 = arith.index_cast %add3A_554 : i32 to index
        %swap3A_611 = arith.constant 80 : index
        %swap3A_612 = tpu.vector_load %arg11[%swap3A_610, %swap3A_611] {strides = array<i32>} : memref<128x128xf32, #tpu.memory_space<vmem>>, vector<1x16xf32>,
        %swap3A_613 = vector.shape_cast %swap3A_612 : vector<1x16xf32> to vector<16xf32>
        %swap3A_614 = vector.shape_cast %mul3A_609 : vector<16xf32> to vector<1x16xf32>
        tpu.vector_store %arg11[%swap3A_610, %swap3A_611], %swap3A_614 {strides = array<i32>} : memref<128x128xf32, #tpu.memory_space<vmem>>, vector<1x16xf32>,
        %get3A_615 = arith.index_cast %add3A_554 : i32 to index
        %get3A_616 = arith.constant 96 : index
        %get3A_617 = tpu.vector_load %arg11[%get3A_615, %get3A_616] {strides = array<i32>} : memref<128x128xf32, #tpu.memory_space<vmem>>, vector<1x16xf32>,
        %get3A_618 = vector.shape_cast %get3A_617 : vector<1x16xf32> to vector<16xf32>
        %mul3A_619 = arith.mulf %get3A_618, %broadcast_in_dim3A_550 : vector<16xf32>
        %swap3A_620 = arith.index_cast %add3A_554 : i32 to index
        %swap3A_621 = arith.constant 96 : index
        %swap3A_622 = tpu.vector_load %arg11[%swap3A_620, %swap3A_621] {strides = array<i32>} : memref<128x128xf32, #tpu.memory_space<vmem>>, vector<1x16xf32>,
        %swap3A_623 = vector.shape_cast %swap3A_622 : vector<1x16xf32> to vector<16xf32>
        %swap3A_624 = vector.shape_cast %mul3A_619 : vector<16xf32> to vector<1x16xf32>
        tpu.vector_store %arg11[%swap3A_620, %swap3A_621], %swap3A_624 {strides = array<i32>} : memref<128x128xf32, #tpu.memory_space<vmem>>, vector<1x16xf32>,
        %get3A_625 = arith.index_cast %add3A_554 : i32 to index
        %get3A_626 = arith.constant 112 : index
        %get3A_627 = tpu.vector_load %arg11[%get3A_625, %get3A_626] {strides = array<i32>} : memref<128x128xf32, #tpu.memory_space<vmem>>, vector<1x16xf32>,
        %get3A_628 = vector.shape_cast %get3A_627 : vector<1x16xf32> to vector<16xf32>
        %mul3A_629 = arith.mulf %get3A_628, %broadcast_in_dim3A_550 : vector<16xf32>
        %swap3A_630 = arith.index_cast %add3A_554 : i32 to index
        %swap3A_631 = arith.constant 112 : index
        %swap3A_632 = tpu.vector_load %arg11[%swap3A_630, %swap3A_631] {strides = array<i32>} : memref<128x128xf32, #tpu.memory_space<vmem>>, vector<1x16xf32>,
        %swap3A_633 = vector.shape_cast %swap3A_632 : vector<1x16xf32> to vector<16xf32>
        %swap3A_634 = vector.shape_cast %mul3A_629 : vector<16xf32> to vector<1x16xf32>
        tpu.vector_store %arg11[%swap3A_630, %swap3A_631], %swap3A_634 {strides = array<i32>} : memref<128x128xf32, #tpu.memory_space<vmem>>, vector<1x16xf32>,
        %slice3A_635 = vector.extract_strided_slice %get3A_29 {offsets = [7], sizes = [1], strides = [1]} : vector<16xf32> to vector<1xf32>
        %squeeze3A_636 = vector.extract %slice3A_635[0] : f32 from vector<1xf32>
        %broadcast_in_dim3A_637 = vector.broadcast %squeeze3A_636 : f32 to vector<16xf32>
        %mul3A_638 = arith.constant 16 : i32
        %mul3A_639 = arith.muli %scan3A_25, %mul3A_638 : i32
        %add3A_640 = arith.constant 7 : i32
        %add3A_641 = arith.addi %mul3A_639, %add3A_640 : i32
        %get3A_642 = arith.index_cast %add3A_641 : i32 to index
        %get3A_643 = arith.constant 0 : index
        %get3A_644 = tpu.vector_load %arg11[%get3A_642, %get3A_643] {strides = array<i32>} : memref<128x128xf32, #tpu.memory_space<vmem>>, vector<1x16xf32>,
        %get3A_645 = vector.shape_cast %get3A_644 : vector<1x16xf32> to vector<16xf32>
        %mul3A_646 = arith.mulf %get3A_645, %broadcast_in_dim3A_637 : vector<16xf32>
        %swap3A_647 = arith.index_cast %add3A_641 : i32 to index
        %swap3A_648 = arith.constant 0 : index
        %swap3A_649 = tpu.vector_load %arg11[%swap3A_647, %swap3A_648] {strides = array<i32>} : memref<128x128xf32, #tpu.memory_space<vmem>>, vector<1x16xf32>,
        %swap3A_650 = vector.shape_cast %swap3A_649 : vector<1x16xf32> to vector<16xf32>
        %swap3A_651 = vector.shape_cast %mul3A_646 : vector<16xf32> to vector<1x16xf32>
        tpu.vector_store %arg11[%swap3A_647, %swap3A_648], %swap3A_651 {strides = array<i32>} : memref<128x128xf32, #tpu.memory_space<vmem>>, vector<1x16xf32>,
        %get3A_652 = arith.index_cast %add3A_641 : i32 to index
        %get3A_653 = arith.constant 16 : index
        %get3A_654 = tpu.vector_load %arg11[%get3A_652, %get3A_653] {strides = array<i32>} : memref<128x128xf32, #tpu.memory_space<vmem>>, vector<1x16xf32>,
        %get3A_655 = vector.shape_cast %get3A_654 : vector<1x16xf32> to vector<16xf32>
        %mul3A_656 = arith.mulf %get3A_655, %broadcast_in_dim3A_637 : vector<16xf32>
        %swap3A_657 = arith.index_cast %add3A_641 : i32 to index
        %swap3A_658 = arith.constant 16 : index
        %swap3A_659 = tpu.vector_load %arg11[%swap3A_657, %swap3A_658] {strides = array<i32>} : memref<128x128xf32, #tpu.memory_space<vmem>>, vector<1x16xf32>,
        %swap3A_660 = vector.shape_cast %swap3A_659 : vector<1x16xf32> to vector<16xf32>
        %swap3A_661 = vector.shape_cast %mul3A_656 : vector<16xf32> to vector<1x16xf32>
        tpu.vector_store %arg11[%swap3A_657, %swap3A_658], %swap3A_661 {strides = array<i32>} : memref<128x128xf32, #tpu.memory_space<vmem>>, vector<1x16xf32>,
        %get3A_662 = arith.index_cast %add3A_641 : i32 to index
        %get3A_663 = arith.constant 32 : index
        %get3A_664 = tpu.vector_load %arg11[%get3A_662, %get3A_663] {strides = array<i32>} : memref<128x128xf32, #tpu.memory_space<vmem>>, vector<1x16xf32>,
        %get3A_665 = vector.shape_cast %get3A_664 : vector<1x16xf32> to vector<16xf32>
        %mul3A_666 = arith.mulf %get3A_665, %broadcast_in_dim3A_637 : vector<16xf32>
        %swap3A_667 = arith.index_cast %add3A_641 : i32 to index
        %swap3A_668 = arith.constant 32 : index
        %swap3A_669 = tpu.vector_load %arg11[%swap3A_667, %swap3A_668] {strides = array<i32>} : memref<128x128xf32, #tpu.memory_space<vmem>>, vector<1x16xf32>,
        %swap3A_670 = vector.shape_cast %swap3A_669 : vector<1x16xf32> to vector<16xf32>
        %swap3A_671 = vector.shape_cast %mul3A_666 : vector<16xf32> to vector<1x16xf32>
        tpu.vector_store %arg11[%swap3A_667, %swap3A_668], %swap3A_671 {strides = array<i32>} : memref<128x128xf32, #tpu.memory_space<vmem>>, vector<1x16xf32>,
        %get3A_672 = arith.index_cast %add3A_641 : i32 to index
        %get3A_673 = arith.constant 48 : index
        %get3A_674 = tpu.vector_load %arg11[%get3A_672, %get3A_673] {strides = array<i32>} : memref<128x128xf32, #tpu.memory_space<vmem>>, vector<1x16xf32>,
        %get3A_675 = vector.shape_cast %get3A_674 : vector<1x16xf32> to vector<16xf32>
        %mul3A_676 = arith.mulf %get3A_675, %broadcast_in_dim3A_637 : vector<16xf32>
        %swap3A_677 = arith.index_cast %add3A_641 : i32 to index
        %swap3A_678 = arith.constant 48 : index
        %swap3A_679 = tpu.vector_load %arg11[%swap3A_677, %swap3A_678] {strides = array<i32>} : memref<128x128xf32, #tpu.memory_space<vmem>>, vector<1x16xf32>,
        %swap3A_680 = vector.shape_cast %swap3A_679 : vector<1x16xf32> to vector<16xf32>
        %swap3A_681 = vector.shape_cast %mul3A_676 : vector<16xf32> to vector<1x16xf32>
        tpu.vector_store %arg11[%swap3A_677, %swap3A_678], %swap3A_681 {strides = array<i32>} : memref<128x128xf32, #tpu.memory_space<vmem>>, vector<1x16xf32>,
        %get3A_682 = arith.index_cast %add3A_641 : i32 to index
        %get3A_683 = arith.constant 64 : index
        %get3A_684 = tpu.vector_load %arg11[%get3A_682, %get3A_683] {strides = array<i32>} : memref<128x128xf32, #tpu.memory_space<vmem>>, vector<1x16xf32>,
        %get3A_685 = vector.shape_cast %get3A_684 : vector<1x16xf32> to vector<16xf32>
        %mul3A_686 = arith.mulf %get3A_685, %broadcast_in_dim3A_637 : vector<16xf32>
        %swap3A_687 = arith.index_cast %add3A_641 : i32 to index
        %swap3A_688 = arith.constant 64 : index
        %swap3A_689 = tpu.vector_load %arg11[%swap3A_687, %swap3A_688] {strides = array<i32>} : memref<128x128xf32, #tpu.memory_space<vmem>>, vector<1x16xf32>,
        %swap3A_690 = vector.shape_cast %swap3A_689 : vector<1x16xf32> to vector<16xf32>
        %swap3A_691 = vector.shape_cast %mul3A_686 : vector<16xf32> to vector<1x16xf32>
        tpu.vector_store %arg11[%swap3A_687, %swap3A_688], %swap3A_691 {strides = array<i32>} : memref<128x128xf32, #tpu.memory_space<vmem>>, vector<1x16xf32>,
        %get3A_692 = arith.index_cast %add3A_641 : i32 to index
        %get3A_693 = arith.constant 80 : index
        %get3A_694 = tpu.vector_load %arg11[%get3A_692, %get3A_693] {strides = array<i32>} : memref<128x128xf32, #tpu.memory_space<vmem>>, vector<1x16xf32>,
        %get3A_695 = vector.shape_cast %get3A_694 : vector<1x16xf32> to vector<16xf32>
        %mul3A_696 = arith.mulf %get3A_695, %broadcast_in_dim3A_637 : vector<16xf32>
        %swap3A_697 = arith.index_cast %add3A_641 : i32 to index
        %swap3A_698 = arith.constant 80 : index
        %swap3A_699 = tpu.vector_load %arg11[%swap3A_697, %swap3A_698] {strides = array<i32>} : memref<128x128xf32, #tpu.memory_space<vmem>>, vector<1x16xf32>,
        %swap3A_700 = vector.shape_cast %swap3A_699 : vector<1x16xf32> to vector<16xf32>
        %swap3A_701 = vector.shape_cast %mul3A_696 : vector<16xf32> to vector<1x16xf32>
        tpu.vector_store %arg11[%swap3A_697, %swap3A_698], %swap3A_701 {strides = array<i32>} : memref<128x128xf32, #tpu.memory_space<vmem>>, vector<1x16xf32>,
        %get3A_702 = arith.index_cast %add3A_641 : i32 to index
        %get3A_703 = arith.constant 96 : index
        %get3A_704 = tpu.vector_load %arg11[%get3A_702, %get3A_703] {strides = array<i32>} : memref<128x128xf32, #tpu.memory_space<vmem>>, vector<1x16xf32>,
        %get3A_705 = vector.shape_cast %get3A_704 : vector<1x16xf32> to vector<16xf32>
        %mul3A_706 = arith.mulf %get3A_705, %broadcast_in_dim3A_637 : vector<16xf32>
        %swap3A_707 = arith.index_cast %add3A_641 : i32 to index
        %swap3A_708 = arith.constant 96 : index
        %swap3A_709 = tpu.vector_load %arg11[%swap3A_707, %swap3A_708] {strides = array<i32>} : memref<128x128xf32, #tpu.memory_space<vmem>>, vector<1x16xf32>,
        %swap3A_710 = vector.shape_cast %swap3A_709 : vector<1x16xf32> to vector<16xf32>
        %swap3A_711 = vector.shape_cast %mul3A_706 : vector<16xf32> to vector<1x16xf32>
        tpu.vector_store %arg11[%swap3A_707, %swap3A_708], %swap3A_711 {strides = array<i32>} : memref<128x128xf32, #tpu.memory_space<vmem>>, vector<1x16xf32>,
        %get3A_712 = arith.index_cast %add3A_641 : i32 to index
        %get3A_713 = arith.constant 112 : index
        %get3A_714 = tpu.vector_load %arg11[%get3A_712, %get3A_713] {strides = array<i32>} : memref<128x128xf32, #tpu.memory_space<vmem>>, vector<1x16xf32>,
        %get3A_715 = vector.shape_cast %get3A_714 : vector<1x16xf32> to vector<16xf32>
        %mul3A_716 = arith.mulf %get3A_715, %broadcast_in_dim3A_637 : vector<16xf32>
        %swap3A_717 = arith.index_cast %add3A_641 : i32 to index
        %swap3A_718 = arith.constant 112 : index
        %swap3A_719 = tpu.vector_load %arg11[%swap3A_717, %swap3A_718] {strides = array<i32>} : memref<128x128xf32, #tpu.memory_space<vmem>>, vector<1x16xf32>,
        %swap3A_720 = vector.shape_cast %swap3A_719 : vector<1x16xf32> to vector<16xf32>
        %swap3A_721 = vector.shape_cast %mul3A_716 : vector<16xf32> to vector<1x16xf32>
        tpu.vector_store %arg11[%swap3A_717, %swap3A_718], %swap3A_721 {strides = array<i32>} : memref<128x128xf32, #tpu.memory_space<vmem>>, vector<1x16xf32>,
        %slice3A_722 = vector.extract_strided_slice %get3A_29 {offsets = [8], sizes = [1], strides = [1]} : vector<16xf32> to vector<1xf32>
        %squeeze3A_723 = vector.extract %slice3A_722[0] : f32 from vector<1xf32>
        %broadcast_in_dim3A_724 = vector.broadcast %squeeze3A_723 : f32 to vector<16xf32>
        %mul3A_725 = arith.constant 16 : i32
        %mul3A_726 = arith.muli %scan3A_25, %mul3A_725 : i32
        %add3A_727 = arith.constant 8 : i32
        %add3A_728 = arith.addi %mul3A_726, %add3A_727 : i32
        %get3A_729 = arith.index_cast %add3A_728 : i32 to index
        %get3A_730 = arith.constant 0 : index
        %get3A_731 = tpu.vector_load %arg11[%get3A_729, %get3A_730] {strides = array<i32>} : memref<128x128xf32, #tpu.memory_space<vmem>>, vector<1x16xf32>,
        %get3A_732 = vector.shape_cast %get3A_731 : vector<1x16xf32> to vector<16xf32>
        %mul3A_733 = arith.mulf %get3A_732, %broadcast_in_dim3A_724 : vector<16xf32>
        %swap3A_734 = arith.index_cast %add3A_728 : i32 to index
        %swap3A_735 = arith.constant 0 : index
        %swap3A_736 = tpu.vector_load %arg11[%swap3A_734, %swap3A_735] {strides = array<i32>} : memref<128x128xf32, #tpu.memory_space<vmem>>, vector<1x16xf32>,
        %swap3A_737 = vector.shape_cast %swap3A_736 : vector<1x16xf32> to vector<16xf32>
        %swap3A_738 = vector.shape_cast %mul3A_733 : vector<16xf32> to vector<1x16xf32>
        tpu.vector_store %arg11[%swap3A_734, %swap3A_735], %swap3A_738 {strides = array<i32>} : memref<128x128xf32, #tpu.memory_space<vmem>>, vector<1x16xf32>,
        %get3A_739 = arith.index_cast %add3A_728 : i32 to index
        %get3A_740 = arith.constant 16 : index
        %get3A_741 = tpu.vector_load %arg11[%get3A_739, %get3A_740] {strides = array<i32>} : memref<128x128xf32, #tpu.memory_space<vmem>>, vector<1x16xf32>,
        %get3A_742 = vector.shape_cast %get3A_741 : vector<1x16xf32> to vector<16xf32>
        %mul3A_743 = arith.mulf %get3A_742, %broadcast_in_dim3A_724 : vector<16xf32>
        %swap3A_744 = arith.index_cast %add3A_728 : i32 to index
        %swap3A_745 = arith.constant 16 : index
        %swap3A_746 = tpu.vector_load %arg11[%swap3A_744, %swap3A_745] {strides = array<i32>} : memref<128x128xf32, #tpu.memory_space<vmem>>, vector<1x16xf32>,
        %swap3A_747 = vector.shape_cast %swap3A_746 : vector<1x16xf32> to vector<16xf32>
        %swap3A_748 = vector.shape_cast %mul3A_743 : vector<16xf32> to vector<1x16xf32>
        tpu.vector_store %arg11[%swap3A_744, %swap3A_745], %swap3A_748 {strides = array<i32>} : memref<128x128xf32, #tpu.memory_space<vmem>>, vector<1x16xf32>,
        %get3A_749 = arith.index_cast %add3A_728 : i32 to index
        %get3A_750 = arith.constant 32 : index
        %get3A_751 = tpu.vector_load %arg11[%get3A_749, %get3A_750] {strides = array<i32>} : memref<128x128xf32, #tpu.memory_space<vmem>>, vector<1x16xf32>,
        %get3A_752 = vector.shape_cast %get3A_751 : vector<1x16xf32> to vector<16xf32>
        %mul3A_753 = arith.mulf %get3A_752, %broadcast_in_dim3A_724 : vector<16xf32>
        %swap3A_754 = arith.index_cast %add3A_728 : i32 to index
        %swap3A_755 = arith.constant 32 : index
        %swap3A_756 = tpu.vector_load %arg11[%swap3A_754, %swap3A_755] {strides = array<i32>} : memref<128x128xf32, #tpu.memory_space<vmem>>, vector<1x16xf32>,
        %swap3A_757 = vector.shape_cast %swap3A_756 : vector<1x16xf32> to vector<16xf32>
        %swap3A_758 = vector.shape_cast %mul3A_753 : vector<16xf32> to vector<1x16xf32>
        tpu.vector_store %arg11[%swap3A_754, %swap3A_755], %swap3A_758 {strides = array<i32>} : memref<128x128xf32, #tpu.memory_space<vmem>>, vector<1x16xf32>,
        %get3A_759 = arith.index_cast %add3A_728 : i32 to index
        %get3A_760 = arith.constant 48 : index
        %get3A_761 = tpu.vector_load %arg11[%get3A_759, %get3A_760] {strides = array<i32>} : memref<128x128xf32, #tpu.memory_space<vmem>>, vector<1x16xf32>,
        %get3A_762 = vector.shape_cast %get3A_761 : vector<1x16xf32> to vector<16xf32>
        %mul3A_763 = arith.mulf %get3A_762, %broadcast_in_dim3A_724 : vector<16xf32>
        %swap3A_764 = arith.index_cast %add3A_728 : i32 to index
        %swap3A_765 = arith.constant 48 : index
        %swap3A_766 = tpu.vector_load %arg11[%swap3A_764, %swap3A_765] {strides = array<i32>} : memref<128x128xf32, #tpu.memory_space<vmem>>, vector<1x16xf32>,
        %swap3A_767 = vector.shape_cast %swap3A_766 : vector<1x16xf32> to vector<16xf32>
        %swap3A_768 = vector.shape_cast %mul3A_763 : vector<16xf32> to vector<1x16xf32>
        tpu.vector_store %arg11[%swap3A_764, %swap3A_765], %swap3A_768 {strides = array<i32>} : memref<128x128xf32, #tpu.memory_space<vmem>>, vector<1x16xf32>,
        %get3A_769 = arith.index_cast %add3A_728 : i32 to index
        %get3A_770 = arith.constant 64 : index
        %get3A_771 = tpu.vector_load %arg11[%get3A_769, %get3A_770] {strides = array<i32>} : memref<128x128xf32, #tpu.memory_space<vmem>>, vector<1x16xf32>,
        %get3A_772 = vector.shape_cast %get3A_771 : vector<1x16xf32> to vector<16xf32>
        %mul3A_773 = arith.mulf %get3A_772, %broadcast_in_dim3A_724 : vector<16xf32>
        %swap3A_774 = arith.index_cast %add3A_728 : i32 to index
        %swap3A_775 = arith.constant 64 : index
        %swap3A_776 = tpu.vector_load %arg11[%swap3A_774, %swap3A_775] {strides = array<i32>} : memref<128x128xf32, #tpu.memory_space<vmem>>, vector<1x16xf32>,
        %swap3A_777 = vector.shape_cast %swap3A_776 : vector<1x16xf32> to vector<16xf32>
        %swap3A_778 = vector.shape_cast %mul3A_773 : vector<16xf32> to vector<1x16xf32>
        tpu.vector_store %arg11[%swap3A_774, %swap3A_775], %swap3A_778 {strides = array<i32>} : memref<128x128xf32, #tpu.memory_space<vmem>>, vector<1x16xf32>,
        %get3A_779 = arith.index_cast %add3A_728 : i32 to index
        %get3A_780 = arith.constant 80 : index
        %get3A_781 = tpu.vector_load %arg11[%get3A_779, %get3A_780] {strides = array<i32>} : memref<128x128xf32, #tpu.memory_space<vmem>>, vector<1x16xf32>,
        %get3A_782 = vector.shape_cast %get3A_781 : vector<1x16xf32> to vector<16xf32>
        %mul3A_783 = arith.mulf %get3A_782, %broadcast_in_dim3A_724 : vector<16xf32>
        %swap3A_784 = arith.index_cast %add3A_728 : i32 to index
        %swap3A_785 = arith.constant 80 : index
        %swap3A_786 = tpu.vector_load %arg11[%swap3A_784, %swap3A_785] {strides = array<i32>} : memref<128x128xf32, #tpu.memory_space<vmem>>, vector<1x16xf32>,
        %swap3A_787 = vector.shape_cast %swap3A_786 : vector<1x16xf32> to vector<16xf32>
        %swap3A_788 = vector.shape_cast %mul3A_783 : vector<16xf32> to vector<1x16xf32>
        tpu.vector_store %arg11[%swap3A_784, %swap3A_785], %swap3A_788 {strides = array<i32>} : memref<128x128xf32, #tpu.memory_space<vmem>>, vector<1x16xf32>,
        %get3A_789 = arith.index_cast %add3A_728 : i32 to index
        %get3A_790 = arith.constant 96 : index
        %get3A_791 = tpu.vector_load %arg11[%get3A_789, %get3A_790] {strides = array<i32>} : memref<128x128xf32, #tpu.memory_space<vmem>>, vector<1x16xf32>,
        %get3A_792 = vector.shape_cast %get3A_791 : vector<1x16xf32> to vector<16xf32>
        %mul3A_793 = arith.mulf %get3A_792, %broadcast_in_dim3A_724 : vector<16xf32>
        %swap3A_794 = arith.index_cast %add3A_728 : i32 to index
        %swap3A_795 = arith.constant 96 : index
        %swap3A_796 = tpu.vector_load %arg11[%swap3A_794, %swap3A_795] {strides = array<i32>} : memref<128x128xf32, #tpu.memory_space<vmem>>, vector<1x16xf32>,
        %swap3A_797 = vector.shape_cast %swap3A_796 : vector<1x16xf32> to vector<16xf32>
        %swap3A_798 = vector.shape_cast %mul3A_793 : vector<16xf32> to vector<1x16xf32>
        tpu.vector_store %arg11[%swap3A_794, %swap3A_795], %swap3A_798 {strides = array<i32>} : memref<128x128xf32, #tpu.memory_space<vmem>>, vector<1x16xf32>,
        %get3A_799 = arith.index_cast %add3A_728 : i32 to index
        %get3A_800 = arith.constant 112 : index
        %get3A_801 = tpu.vector_load %arg11[%get3A_799, %get3A_800] {strides = array<i32>} : memref<128x128xf32, #tpu.memory_space<vmem>>, vector<1x16xf32>,
        %get3A_802 = vector.shape_cast %get3A_801 : vector<1x16xf32> to vector<16xf32>
        %mul3A_803 = arith.mulf %get3A_802, %broadcast_in_dim3A_724 : vector<16xf32>
        %swap3A_804 = arith.index_cast %add3A_728 : i32 to index
        %swap3A_805 = arith.constant 112 : index
        %swap3A_806 = tpu.vector_load %arg11[%swap3A_804, %swap3A_805] {strides = array<i32>} : memref<128x128xf32, #tpu.memory_space<vmem>>, vector<1x16xf32>,
        %swap3A_807 = vector.shape_cast %swap3A_806 : vector<1x16xf32> to vector<16xf32>
        %swap3A_808 = vector.shape_cast %mul3A_803 : vector<16xf32> to vector<1x16xf32>
        tpu.vector_store %arg11[%swap3A_804, %swap3A_805], %swap3A_808 {strides = array<i32>} : memref<128x128xf32, #tpu.memory_space<vmem>>, vector<1x16xf32>,
        %slice3A_809 = vector.extract_strided_slice %get3A_29 {offsets = [9], sizes = [1], strides = [1]} : vector<16xf32> to vector<1xf32>
        %squeeze3A_810 = vector.extract %slice3A_809[0] : f32 from vector<1xf32>
        %broadcast_in_dim3A_811 = vector.broadcast %squeeze3A_810 : f32 to vector<16xf32>
        %mul3A_812 = arith.constant 16 : i32
        %mul3A_813 = arith.muli %scan3A_25, %mul3A_812 : i32
        %add3A_814 = arith.constant 9 : i32
        %add3A_815 = arith.addi %mul3A_813, %add3A_814 : i32
        %get3A_816 = arith.index_cast %add3A_815 : i32 to index
        %get3A_817 = arith.constant 0 : index
        %get3A_818 = tpu.vector_load %arg11[%get3A_816, %get3A_817] {strides = array<i32>} : memref<128x128xf32, #tpu.memory_space<vmem>>, vector<1x16xf32>,
        %get3A_819 = vector.shape_cast %get3A_818 : vector<1x16xf32> to vector<16xf32>
        %mul3A_820 = arith.mulf %get3A_819, %broadcast_in_dim3A_811 : vector<16xf32>
        %swap3A_821 = arith.index_cast %add3A_815 : i32 to index
        %swap3A_822 = arith.constant 0 : index
        %swap3A_823 = tpu.vector_load %arg11[%swap3A_821, %swap3A_822] {strides = array<i32>} : memref<128x128xf32, #tpu.memory_space<vmem>>, vector<1x16xf32>,
        %swap3A_824 = vector.shape_cast %swap3A_823 : vector<1x16xf32> to vector<16xf32>
        %swap3A_825 = vector.shape_cast %mul3A_820 : vector<16xf32> to vector<1x16xf32>
        tpu.vector_store %arg11[%swap3A_821, %swap3A_822], %swap3A_825 {strides = array<i32>} : memref<128x128xf32, #tpu.memory_space<vmem>>, vector<1x16xf32>,
        %get3A_826 = arith.index_cast %add3A_815 : i32 to index
        %get3A_827 = arith.constant 16 : index
        %get3A_828 = tpu.vector_load %arg11[%get3A_826, %get3A_827] {strides = array<i32>} : memref<128x128xf32, #tpu.memory_space<vmem>>, vector<1x16xf32>,
        %get3A_829 = vector.shape_cast %get3A_828 : vector<1x16xf32> to vector<16xf32>
        %mul3A_830 = arith.mulf %get3A_829, %broadcast_in_dim3A_811 : vector<16xf32>
        %swap3A_831 = arith.index_cast %add3A_815 : i32 to index
        %swap3A_832 = arith.constant 16 : index
        %swap3A_833 = tpu.vector_load %arg11[%swap3A_831, %swap3A_832] {strides = array<i32>} : memref<128x128xf32, #tpu.memory_space<vmem>>, vector<1x16xf32>,
        %swap3A_834 = vector.shape_cast %swap3A_833 : vector<1x16xf32> to vector<16xf32>
        %swap3A_835 = vector.shape_cast %mul3A_830 : vector<16xf32> to vector<1x16xf32>
        tpu.vector_store %arg11[%swap3A_831, %swap3A_832], %swap3A_835 {strides = array<i32>} : memref<128x128xf32, #tpu.memory_space<vmem>>, vector<1x16xf32>,
        %get3A_836 = arith.index_cast %add3A_815 : i32 to index
        %get3A_837 = arith.constant 32 : index
        %get3A_838 = tpu.vector_load %arg11[%get3A_836, %get3A_837] {strides = array<i32>} : memref<128x128xf32, #tpu.memory_space<vmem>>, vector<1x16xf32>,
        %get3A_839 = vector.shape_cast %get3A_838 : vector<1x16xf32> to vector<16xf32>
        %mul3A_840 = arith.mulf %get3A_839, %broadcast_in_dim3A_811 : vector<16xf32>
        %swap3A_841 = arith.index_cast %add3A_815 : i32 to index
        %swap3A_842 = arith.constant 32 : index
        %swap3A_843 = tpu.vector_load %arg11[%swap3A_841, %swap3A_842] {strides = array<i32>} : memref<128x128xf32, #tpu.memory_space<vmem>>, vector<1x16xf32>,
        %swap3A_844 = vector.shape_cast %swap3A_843 : vector<1x16xf32> to vector<16xf32>
        %swap3A_845 = vector.shape_cast %mul3A_840 : vector<16xf32> to vector<1x16xf32>
        tpu.vector_store %arg11[%swap3A_841, %swap3A_842], %swap3A_845 {strides = array<i32>} : memref<128x128xf32, #tpu.memory_space<vmem>>, vector<1x16xf32>,
        %get3A_846 = arith.index_cast %add3A_815 : i32 to index
        %get3A_847 = arith.constant 48 : index
        %get3A_848 = tpu.vector_load %arg11[%get3A_846, %get3A_847] {strides = array<i32>} : memref<128x128xf32, #tpu.memory_space<vmem>>, vector<1x16xf32>,
        %get3A_849 = vector.shape_cast %get3A_848 : vector<1x16xf32> to vector<16xf32>
        %mul3A_850 = arith.mulf %get3A_849, %broadcast_in_dim3A_811 : vector<16xf32>
        %swap3A_851 = arith.index_cast %add3A_815 : i32 to index
        %swap3A_852 = arith.constant 48 : index
        %swap3A_853 = tpu.vector_load %arg11[%swap3A_851, %swap3A_852] {strides = array<i32>} : memref<128x128xf32, #tpu.memory_space<vmem>>, vector<1x16xf32>,
        %swap3A_854 = vector.shape_cast %swap3A_853 : vector<1x16xf32> to vector<16xf32>
        %swap3A_855 = vector.shape_cast %mul3A_850 : vector<16xf32> to vector<1x16xf32>
        tpu.vector_store %arg11[%swap3A_851, %swap3A_852], %swap3A_855 {strides = array<i32>} : memref<128x128xf32, #tpu.memory_space<vmem>>, vector<1x16xf32>,
        %get3A_856 = arith.index_cast %add3A_815 : i32 to index
        %get3A_857 = arith.constant 64 : index
        %get3A_858 = tpu.vector_load %arg11[%get3A_856, %get3A_857] {strides = array<i32>} : memref<128x128xf32, #tpu.memory_space<vmem>>, vector<1x16xf32>,
        %get3A_859 = vector.shape_cast %get3A_858 : vector<1x16xf32> to vector<16xf32>
        %mul3A_860 = arith.mulf %get3A_859, %broadcast_in_dim3A_811 : vector<16xf32>
        %swap3A_861 = arith.index_cast %add3A_815 : i32 to index
        %swap3A_862 = arith.constant 64 : index
        %swap3A_863 = tpu.vector_load %arg11[%swap3A_861, %swap3A_862] {strides = array<i32>} : memref<128x128xf32, #tpu.memory_space<vmem>>, vector<1x16xf32>,
        %swap3A_864 = vector.shape_cast %swap3A_863 : vector<1x16xf32> to vector<16xf32>
        %swap3A_865 = vector.shape_cast %mul3A_860 : vector<16xf32> to vector<1x16xf32>
        tpu.vector_store %arg11[%swap3A_861, %swap3A_862], %swap3A_865 {strides = array<i32>} : memref<128x128xf32, #tpu.memory_space<vmem>>, vector<1x16xf32>,
        %get3A_866 = arith.index_cast %add3A_815 : i32 to index
        %get3A_867 = arith.constant 80 : index
        %get3A_868 = tpu.vector_load %arg11[%get3A_866, %get3A_867] {strides = array<i32>} : memref<128x128xf32, #tpu.memory_space<vmem>>, vector<1x16xf32>,
        %get3A_869 = vector.shape_cast %get3A_868 : vector<1x16xf32> to vector<16xf32>
        %mul3A_870 = arith.mulf %get3A_869, %broadcast_in_dim3A_811 : vector<16xf32>
        %swap3A_871 = arith.index_cast %add3A_815 : i32 to index
        %swap3A_872 = arith.constant 80 : index
        %swap3A_873 = tpu.vector_load %arg11[%swap3A_871, %swap3A_872] {strides = array<i32>} : memref<128x128xf32, #tpu.memory_space<vmem>>, vector<1x16xf32>,
        %swap3A_874 = vector.shape_cast %swap3A_873 : vector<1x16xf32> to vector<16xf32>
        %swap3A_875 = vector.shape_cast %mul3A_870 : vector<16xf32> to vector<1x16xf32>
        tpu.vector_store %arg11[%swap3A_871, %swap3A_872], %swap3A_875 {strides = array<i32>} : memref<128x128xf32, #tpu.memory_space<vmem>>, vector<1x16xf32>,
        %get3A_876 = arith.index_cast %add3A_815 : i32 to index
        %get3A_877 = arith.constant 96 : index
        %get3A_878 = tpu.vector_load %arg11[%get3A_876, %get3A_877] {strides = array<i32>} : memref<128x128xf32, #tpu.memory_space<vmem>>, vector<1x16xf32>,
        %get3A_879 = vector.shape_cast %get3A_878 : vector<1x16xf32> to vector<16xf32>
        %mul3A_880 = arith.mulf %get3A_879, %broadcast_in_dim3A_811 : vector<16xf32>
        %swap3A_881 = arith.index_cast %add3A_815 : i32 to index
        %swap3A_882 = arith.constant 96 : index
        %swap3A_883 = tpu.vector_load %arg11[%swap3A_881, %swap3A_882] {strides = array<i32>} : memref<128x128xf32, #tpu.memory_space<vmem>>, vector<1x16xf32>,
        %swap3A_884 = vector.shape_cast %swap3A_883 : vector<1x16xf32> to vector<16xf32>
        %swap3A_885 = vector.shape_cast %mul3A_880 : vector<16xf32> to vector<1x16xf32>
        tpu.vector_store %arg11[%swap3A_881, %swap3A_882], %swap3A_885 {strides = array<i32>} : memref<128x128xf32, #tpu.memory_space<vmem>>, vector<1x16xf32>,
        %get3A_886 = arith.index_cast %add3A_815 : i32 to index
        %get3A_887 = arith.constant 112 : index
        %get3A_888 = tpu.vector_load %arg11[%get3A_886, %get3A_887] {strides = array<i32>} : memref<128x128xf32, #tpu.memory_space<vmem>>, vector<1x16xf32>,
        %get3A_889 = vector.shape_cast %get3A_888 : vector<1x16xf32> to vector<16xf32>
        %mul3A_890 = arith.mulf %get3A_889, %broadcast_in_dim3A_811 : vector<16xf32>
        %swap3A_891 = arith.index_cast %add3A_815 : i32 to index
        %swap3A_892 = arith.constant 112 : index
        %swap3A_893 = tpu.vector_load %arg11[%swap3A_891, %swap3A_892] {strides = array<i32>} : memref<128x128xf32, #tpu.memory_space<vmem>>, vector<1x16xf32>,
        %swap3A_894 = vector.shape_cast %swap3A_893 : vector<1x16xf32> to vector<16xf32>
        %swap3A_895 = vector.shape_cast %mul3A_890 : vector<16xf32> to vector<1x16xf32>
        tpu.vector_store %arg11[%swap3A_891, %swap3A_892], %swap3A_895 {strides = array<i32>} : memref<128x128xf32, #tpu.memory_space<vmem>>, vector<1x16xf32>,
        %slice3A_896 = vector.extract_strided_slice %get3A_29 {offsets = [10], sizes = [1], strides = [1]} : vector<16xf32> to vector<1xf32>
        %squeeze3A_897 = vector.extract %slice3A_896[0] : f32 from vector<1xf32>
        %broadcast_in_dim3A_898 = vector.broadcast %squeeze3A_897 : f32 to vector<16xf32>
        %mul3A_899 = arith.constant 16 : i32
        %mul3A_900 = arith.muli %scan3A_25, %mul3A_899 : i32
        %add3A_901 = arith.constant 10 : i32
        %add3A_902 = arith.addi %mul3A_900, %add3A_901 : i32
        %get3A_903 = arith.index_cast %add3A_902 : i32 to index
        %get3A_904 = arith.constant 0 : index
        %get3A_905 = tpu.vector_load %arg11[%get3A_903, %get3A_904] {strides = array<i32>} : memref<128x128xf32, #tpu.memory_space<vmem>>, vector<1x16xf32>,
        %get3A_906 = vector.shape_cast %get3A_905 : vector<1x16xf32> to vector<16xf32>
        %mul3A_907 = arith.mulf %get3A_906, %broadcast_in_dim3A_898 : vector<16xf32>
        %swap3A_908 = arith.index_cast %add3A_902 : i32 to index
        %swap3A_909 = arith.constant 0 : index
        %swap3A_910 = tpu.vector_load %arg11[%swap3A_908, %swap3A_909] {strides = array<i32>} : memref<128x128xf32, #tpu.memory_space<vmem>>, vector<1x16xf32>,
        %swap3A_911 = vector.shape_cast %swap3A_910 : vector<1x16xf32> to vector<16xf32>
        %swap3A_912 = vector.shape_cast %mul3A_907 : vector<16xf32> to vector<1x16xf32>
        tpu.vector_store %arg11[%swap3A_908, %swap3A_909], %swap3A_912 {strides = array<i32>} : memref<128x128xf32, #tpu.memory_space<vmem>>, vector<1x16xf32>,
        %get3A_913 = arith.index_cast %add3A_902 : i32 to index
        %get3A_914 = arith.constant 16 : index
        %get3A_915 = tpu.vector_load %arg11[%get3A_913, %get3A_914] {strides = array<i32>} : memref<128x128xf32, #tpu.memory_space<vmem>>, vector<1x16xf32>,
        %get3A_916 = vector.shape_cast %get3A_915 : vector<1x16xf32> to vector<16xf32>
        %mul3A_917 = arith.mulf %get3A_916, %broadcast_in_dim3A_898 : vector<16xf32>
        %swap3A_918 = arith.index_cast %add3A_902 : i32 to index
        %swap3A_919 = arith.constant 16 : index
        %swap3A_920 = tpu.vector_load %arg11[%swap3A_918, %swap3A_919] {strides = array<i32>} : memref<128x128xf32, #tpu.memory_space<vmem>>, vector<1x16xf32>,
        %swap3A_921 = vector.shape_cast %swap3A_920 : vector<1x16xf32> to vector<16xf32>
        %swap3A_922 = vector.shape_cast %mul3A_917 : vector<16xf32> to vector<1x16xf32>
        tpu.vector_store %arg11[%swap3A_918, %swap3A_919], %swap3A_922 {strides = array<i32>} : memref<128x128xf32, #tpu.memory_space<vmem>>, vector<1x16xf32>,
        %get3A_923 = arith.index_cast %add3A_902 : i32 to index
        %get3A_924 = arith.constant 32 : index
        %get3A_925 = tpu.vector_load %arg11[%get3A_923, %get3A_924] {strides = array<i32>} : memref<128x128xf32, #tpu.memory_space<vmem>>, vector<1x16xf32>,
        %get3A_926 = vector.shape_cast %get3A_925 : vector<1x16xf32> to vector<16xf32>
        %mul3A_927 = arith.mulf %get3A_926, %broadcast_in_dim3A_898 : vector<16xf32>
        %swap3A_928 = arith.index_cast %add3A_902 : i32 to index
        %swap3A_929 = arith.constant 32 : index
        %swap3A_930 = tpu.vector_load %arg11[%swap3A_928, %swap3A_929] {strides = array<i32>} : memref<128x128xf32, #tpu.memory_space<vmem>>, vector<1x16xf32>,
        %swap3A_931 = vector.shape_cast %swap3A_930 : vector<1x16xf32> to vector<16xf32>
        %swap3A_932 = vector.shape_cast %mul3A_927 : vector<16xf32> to vector<1x16xf32>
        tpu.vector_store %arg11[%swap3A_928, %swap3A_929], %swap3A_932 {strides = array<i32>} : memref<128x128xf32, #tpu.memory_space<vmem>>, vector<1x16xf32>,
        %get3A_933 = arith.index_cast %add3A_902 : i32 to index
        %get3A_934 = arith.constant 48 : index
        %get3A_935 = tpu.vector_load %arg11[%get3A_933, %get3A_934] {strides = array<i32>} : memref<128x128xf32, #tpu.memory_space<vmem>>, vector<1x16xf32>,
        %get3A_936 = vector.shape_cast %get3A_935 : vector<1x16xf32> to vector<16xf32>
        %mul3A_937 = arith.mulf %get3A_936, %broadcast_in_dim3A_898 : vector<16xf32>
        %swap3A_938 = arith.index_cast %add3A_902 : i32 to index
        %swap3A_939 = arith.constant 48 : index
        %swap3A_940 = tpu.vector_load %arg11[%swap3A_938, %swap3A_939] {strides = array<i32>} : memref<128x128xf32, #tpu.memory_space<vmem>>, vector<1x16xf32>,
        %swap3A_941 = vector.shape_cast %swap3A_940 : vector<1x16xf32> to vector<16xf32>
        %swap3A_942 = vector.shape_cast %mul3A_937 : vector<16xf32> to vector<1x16xf32>
        tpu.vector_store %arg11[%swap3A_938, %swap3A_939], %swap3A_942 {strides = array<i32>} : memref<128x128xf32, #tpu.memory_space<vmem>>, vector<1x16xf32>,
        %get3A_943 = arith.index_cast %add3A_902 : i32 to index
        %get3A_944 = arith.constant 64 : index
        %get3A_945 = tpu.vector_load %arg11[%get3A_943, %get3A_944] {strides = array<i32>} : memref<128x128xf32, #tpu.memory_space<vmem>>, vector<1x16xf32>,
        %get3A_946 = vector.shape_cast %get3A_945 : vector<1x16xf32> to vector<16xf32>
        %mul3A_947 = arith.mulf %get3A_946, %broadcast_in_dim3A_898 : vector<16xf32>
        %swap3A_948 = arith.index_cast %add3A_902 : i32 to index
        %swap3A_949 = arith.constant 64 : index
        %swap3A_950 = tpu.vector_load %arg11[%swap3A_948, %swap3A_949] {strides = array<i32>} : memref<128x128xf32, #tpu.memory_space<vmem>>, vector<1x16xf32>,
        %swap3A_951 = vector.shape_cast %swap3A_950 : vector<1x16xf32> to vector<16xf32>
        %swap3A_952 = vector.shape_cast %mul3A_947 : vector<16xf32> to vector<1x16xf32>
        tpu.vector_store %arg11[%swap3A_948, %swap3A_949], %swap3A_952 {strides = array<i32>} : memref<128x128xf32, #tpu.memory_space<vmem>>, vector<1x16xf32>,
        %get3A_953 = arith.index_cast %add3A_902 : i32 to index
        %get3A_954 = arith.constant 80 : index
        %get3A_955 = tpu.vector_load %arg11[%get3A_953, %get3A_954] {strides = array<i32>} : memref<128x128xf32, #tpu.memory_space<vmem>>, vector<1x16xf32>,
        %get3A_956 = vector.shape_cast %get3A_955 : vector<1x16xf32> to vector<16xf32>
        %mul3A_957 = arith.mulf %get3A_956, %broadcast_in_dim3A_898 : vector<16xf32>
        %swap3A_958 = arith.index_cast %add3A_902 : i32 to index
        %swap3A_959 = arith.constant 80 : index
        %swap3A_960 = tpu.vector_load %arg11[%swap3A_958, %swap3A_959] {strides = array<i32>} : memref<128x128xf32, #tpu.memory_space<vmem>>, vector<1x16xf32>,
        %swap3A_961 = vector.shape_cast %swap3A_960 : vector<1x16xf32> to vector<16xf32>
        %swap3A_962 = vector.shape_cast %mul3A_957 : vector<16xf32> to vector<1x16xf32>
        tpu.vector_store %arg11[%swap3A_958, %swap3A_959], %swap3A_962 {strides = array<i32>} : memref<128x128xf32, #tpu.memory_space<vmem>>, vector<1x16xf32>,
        %get3A_963 = arith.index_cast %add3A_902 : i32 to index
        %get3A_964 = arith.constant 96 : index
        %get3A_965 = tpu.vector_load %arg11[%get3A_963, %get3A_964] {strides = array<i32>} : memref<128x128xf32, #tpu.memory_space<vmem>>, vector<1x16xf32>,
        %get3A_966 = vector.shape_cast %get3A_965 : vector<1x16xf32> to vector<16xf32>
        %mul3A_967 = arith.mulf %get3A_966, %broadcast_in_dim3A_898 : vector<16xf32>
        %swap3A_968 = arith.index_cast %add3A_902 : i32 to index
        %swap3A_969 = arith.constant 96 : index
        %swap3A_970 = tpu.vector_load %arg11[%swap3A_968, %swap3A_969] {strides = array<i32>} : memref<128x128xf32, #tpu.memory_space<vmem>>, vector<1x16xf32>,
        %swap3A_971 = vector.shape_cast %swap3A_970 : vector<1x16xf32> to vector<16xf32>
        %swap3A_972 = vector.shape_cast %mul3A_967 : vector<16xf32> to vector<1x16xf32>
        tpu.vector_store %arg11[%swap3A_968, %swap3A_969], %swap3A_972 {strides = array<i32>} : memref<128x128xf32, #tpu.memory_space<vmem>>, vector<1x16xf32>,
        %get3A_973 = arith.index_cast %add3A_902 : i32 to index
        %get3A_974 = arith.constant 112 : index
        %get3A_975 = tpu.vector_load %arg11[%get3A_973, %get3A_974] {strides = array<i32>} : memref<128x128xf32, #tpu.memory_space<vmem>>, vector<1x16xf32>,
        %get3A_976 = vector.shape_cast %get3A_975 : vector<1x16xf32> to vector<16xf32>
        %mul3A_977 = arith.mulf %get3A_976, %broadcast_in_dim3A_898 : vector<16xf32>
        %swap3A_978 = arith.index_cast %add3A_902 : i32 to index
        %swap3A_979 = arith.constant 112 : index
        %swap3A_980 = tpu.vector_load %arg11[%swap3A_978, %swap3A_979] {strides = array<i32>} : memref<128x128xf32, #tpu.memory_space<vmem>>, vector<1x16xf32>,
        %swap3A_981 = vector.shape_cast %swap3A_980 : vector<1x16xf32> to vector<16xf32>
        %swap3A_982 = vector.shape_cast %mul3A_977 : vector<16xf32> to vector<1x16xf32>
        tpu.vector_store %arg11[%swap3A_978, %swap3A_979], %swap3A_982 {strides = array<i32>} : memref<128x128xf32, #tpu.memory_space<vmem>>, vector<1x16xf32>,
        %slice3A_983 = vector.extract_strided_slice %get3A_29 {offsets = [11], sizes = [1], strides = [1]} : vector<16xf32> to vector<1xf32>
        %squeeze3A_984 = vector.extract %slice3A_983[0] : f32 from vector<1xf32>
        %broadcast_in_dim3A_985 = vector.broadcast %squeeze3A_984 : f32 to vector<16xf32>
        %mul3A_986 = arith.constant 16 : i32
        %mul3A_987 = arith.muli %scan3A_25, %mul3A_986 : i32
        %add3A_988 = arith.constant 11 : i32
        %add3A_989 = arith.addi %mul3A_987, %add3A_988 : i32
        %get3A_990 = arith.index_cast %add3A_989 : i32 to index
        %get3A_991 = arith.constant 0 : index
        %get3A_992 = tpu.vector_load %arg11[%get3A_990, %get3A_991] {strides = array<i32>} : memref<128x128xf32, #tpu.memory_space<vmem>>, vector<1x16xf32>,
        %get3A_993 = vector.shape_cast %get3A_992 : vector<1x16xf32> to vector<16xf32>
        %mul3A_994 = arith.mulf %get3A_993, %broadcast_in_dim3A_985 : vector<16xf32>
        %swap3A_995 = arith.index_cast %add3A_989 : i32 to index
        %swap3A_996 = arith.constant 0 : index
        %swap3A_997 = tpu.vector_load %arg11[%swap3A_995, %swap3A_996] {strides = array<i32>} : memref<128x128xf32, #tpu.memory_space<vmem>>, vector<1x16xf32>,
        %swap3A_998 = vector.shape_cast %swap3A_997 : vector<1x16xf32> to vector<16xf32>
        %swap3A_999 = vector.shape_cast %mul3A_994 : vector<16xf32> to vector<1x16xf32>
        tpu.vector_store %arg11[%swap3A_995, %swap3A_996], %swap3A_999 {strides = array<i32>} : memref<128x128xf32, #tpu.memory_space<vmem>>, vector<1x16xf32>,
        %get3A_1000 = arith.index_cast %add3A_989 : i32 to index
        %get3A_1001 = arith.constant 16 : index
        %get3A_1002 = tpu.vector_load %arg11[%get3A_1000, %get3A_1001] {strides = array<i32>} : memref<128x128xf32, #tpu.memory_space<vmem>>, vector<1x16xf32>,
        %get3A_1003 = vector.shape_cast %get3A_1002 : vector<1x16xf32> to vector<16xf32>
        %mul3A_1004 = arith.mulf %get3A_1003, %broadcast_in_dim3A_985 : vector<16xf32>
        %swap3A_1005 = arith.index_cast %add3A_989 : i32 to index
        %swap3A_1006 = arith.constant 16 : index
        %swap3A_1007 = tpu.vector_load %arg11[%swap3A_1005, %swap3A_1006] {strides = array<i32>} : memref<128x128xf32, #tpu.memory_space<vmem>>, vector<1x16xf32>,
        %swap3A_1008 = vector.shape_cast %swap3A_1007 : vector<1x16xf32> to vector<16xf32>
        %swap3A_1009 = vector.shape_cast %mul3A_1004 : vector<16xf32> to vector<1x16xf32>
        tpu.vector_store %arg11[%swap3A_1005, %swap3A_1006], %swap3A_1009 {strides = array<i32>} : memref<128x128xf32, #tpu.memory_space<vmem>>, vector<1x16xf32>,
        %get3A_1010 = arith.index_cast %add3A_989 : i32 to index
        %get3A_1011 = arith.constant 32 : index
        %get3A_1012 = tpu.vector_load %arg11[%get3A_1010, %get3A_1011] {strides = array<i32>} : memref<128x128xf32, #tpu.memory_space<vmem>>, vector<1x16xf32>,
        %get3A_1013 = vector.shape_cast %get3A_1012 : vector<1x16xf32> to vector<16xf32>
        %mul3A_1014 = arith.mulf %get3A_1013, %broadcast_in_dim3A_985 : vector<16xf32>
        %swap3A_1015 = arith.index_cast %add3A_989 : i32 to index
        %swap3A_1016 = arith.constant 32 : index
        %swap3A_1017 = tpu.vector_load %arg11[%swap3A_1015, %swap3A_1016] {strides = array<i32>} : memref<128x128xf32, #tpu.memory_space<vmem>>, vector<1x16xf32>,
        %swap3A_1018 = vector.shape_cast %swap3A_1017 : vector<1x16xf32> to vector<16xf32>
        %swap3A_1019 = vector.shape_cast %mul3A_1014 : vector<16xf32> to vector<1x16xf32>
        tpu.vector_store %arg11[%swap3A_1015, %swap3A_1016], %swap3A_1019 {strides = array<i32>} : memref<128x128xf32, #tpu.memory_space<vmem>>, vector<1x16xf32>,
        %get3A_1020 = arith.index_cast %add3A_989 : i32 to index
        %get3A_1021 = arith.constant 48 : index
        %get3A_1022 = tpu.vector_load %arg11[%get3A_1020, %get3A_1021] {strides = array<i32>} : memref<128x128xf32, #tpu.memory_space<vmem>>, vector<1x16xf32>,
        %get3A_1023 = vector.shape_cast %get3A_1022 : vector<1x16xf32> to vector<16xf32>
        %mul3A_1024 = arith.mulf %get3A_1023, %broadcast_in_dim3A_985 : vector<16xf32>
        %swap3A_1025 = arith.index_cast %add3A_989 : i32 to index
        %swap3A_1026 = arith.constant 48 : index
        %swap3A_1027 = tpu.vector_load %arg11[%swap3A_1025, %swap3A_1026] {strides = array<i32>} : memref<128x128xf32, #tpu.memory_space<vmem>>, vector<1x16xf32>,
        %swap3A_1028 = vector.shape_cast %swap3A_1027 : vector<1x16xf32> to vector<16xf32>
        %swap3A_1029 = vector.shape_cast %mul3A_1024 : vector<16xf32> to vector<1x16xf32>
        tpu.vector_store %arg11[%swap3A_1025, %swap3A_1026], %swap3A_1029 {strides = array<i32>} : memref<128x128xf32, #tpu.memory_space<vmem>>, vector<1x16xf32>,
        %get3A_1030 = arith.index_cast %add3A_989 : i32 to index
        %get3A_1031 = arith.constant 64 : index
        %get3A_1032 = tpu.vector_load %arg11[%get3A_1030, %get3A_1031] {strides = array<i32>} : memref<128x128xf32, #tpu.memory_space<vmem>>, vector<1x16xf32>,
        %get3A_1033 = vector.shape_cast %get3A_1032 : vector<1x16xf32> to vector<16xf32>
        %mul3A_1034 = arith.mulf %get3A_1033, %broadcast_in_dim3A_985 : vector<16xf32>
        %swap3A_1035 = arith.index_cast %add3A_989 : i32 to index
        %swap3A_1036 = arith.constant 64 : index
        %swap3A_1037 = tpu.vector_load %arg11[%swap3A_1035, %swap3A_1036] {strides = array<i32>} : memref<128x128xf32, #tpu.memory_space<vmem>>, vector<1x16xf32>,
        %swap3A_1038 = vector.shape_cast %swap3A_1037 : vector<1x16xf32> to vector<16xf32>
        %swap3A_1039 = vector.shape_cast %mul3A_1034 : vector<16xf32> to vector<1x16xf32>
        tpu.vector_store %arg11[%swap3A_1035, %swap3A_1036], %swap3A_1039 {strides = array<i32>} : memref<128x128xf32, #tpu.memory_space<vmem>>, vector<1x16xf32>,
        %get3A_1040 = arith.index_cast %add3A_989 : i32 to index
        %get3A_1041 = arith.constant 80 : index
        %get3A_1042 = tpu.vector_load %arg11[%get3A_1040, %get3A_1041] {strides = array<i32>} : memref<128x128xf32, #tpu.memory_space<vmem>>, vector<1x16xf32>,
        %get3A_1043 = vector.shape_cast %get3A_1042 : vector<1x16xf32> to vector<16xf32>
        %mul3A_1044 = arith.mulf %get3A_1043, %broadcast_in_dim3A_985 : vector<16xf32>
        %swap3A_1045 = arith.index_cast %add3A_989 : i32 to index
        %swap3A_1046 = arith.constant 80 : index
        %swap3A_1047 = tpu.vector_load %arg11[%swap3A_1045, %swap3A_1046] {strides = array<i32>} : memref<128x128xf32, #tpu.memory_space<vmem>>, vector<1x16xf32>,
        %swap3A_1048 = vector.shape_cast %swap3A_1047 : vector<1x16xf32> to vector<16xf32>
        %swap3A_1049 = vector.shape_cast %mul3A_1044 : vector<16xf32> to vector<1x16xf32>
        tpu.vector_store %arg11[%swap3A_1045, %swap3A_1046], %swap3A_1049 {strides = array<i32>} : memref<128x128xf32, #tpu.memory_space<vmem>>, vector<1x16xf32>,
        %get3A_1050 = arith.index_cast %add3A_989 : i32 to index
        %get3A_1051 = arith.constant 96 : index
        %get3A_1052 = tpu.vector_load %arg11[%get3A_1050, %get3A_1051] {strides = array<i32>} : memref<128x128xf32, #tpu.memory_space<vmem>>, vector<1x16xf32>,
        %get3A_1053 = vector.shape_cast %get3A_1052 : vector<1x16xf32> to vector<16xf32>
        %mul3A_1054 = arith.mulf %get3A_1053, %broadcast_in_dim3A_985 : vector<16xf32>
        %swap3A_1055 = arith.index_cast %add3A_989 : i32 to index
        %swap3A_1056 = arith.constant 96 : index
        %swap3A_1057 = tpu.vector_load %arg11[%swap3A_1055, %swap3A_1056] {strides = array<i32>} : memref<128x128xf32, #tpu.memory_space<vmem>>, vector<1x16xf32>,
        %swap3A_1058 = vector.shape_cast %swap3A_1057 : vector<1x16xf32> to vector<16xf32>
        %swap3A_1059 = vector.shape_cast %mul3A_1054 : vector<16xf32> to vector<1x16xf32>
        tpu.vector_store %arg11[%swap3A_1055, %swap3A_1056], %swap3A_1059 {strides = array<i32>} : memref<128x128xf32, #tpu.memory_space<vmem>>, vector<1x16xf32>,
        %get3A_1060 = arith.index_cast %add3A_989 : i32 to index
        %get3A_1061 = arith.constant 112 : index
        %get3A_1062 = tpu.vector_load %arg11[%get3A_1060, %get3A_1061] {strides = array<i32>} : memref<128x128xf32, #tpu.memory_space<vmem>>, vector<1x16xf32>,
        %get3A_1063 = vector.shape_cast %get3A_1062 : vector<1x16xf32> to vector<16xf32>
        %mul3A_1064 = arith.mulf %get3A_1063, %broadcast_in_dim3A_985 : vector<16xf32>
        %swap3A_1065 = arith.index_cast %add3A_989 : i32 to index
        %swap3A_1066 = arith.constant 112 : index
        %swap3A_1067 = tpu.vector_load %arg11[%swap3A_1065, %swap3A_1066] {strides = array<i32>} : memref<128x128xf32, #tpu.memory_space<vmem>>, vector<1x16xf32>,
        %swap3A_1068 = vector.shape_cast %swap3A_1067 : vector<1x16xf32> to vector<16xf32>
        %swap3A_1069 = vector.shape_cast %mul3A_1064 : vector<16xf32> to vector<1x16xf32>
        tpu.vector_store %arg11[%swap3A_1065, %swap3A_1066], %swap3A_1069 {strides = array<i32>} : memref<128x128xf32, #tpu.memory_space<vmem>>, vector<1x16xf32>,
        %slice3A_1070 = vector.extract_strided_slice %get3A_29 {offsets = [12], sizes = [1], strides = [1]} : vector<16xf32> to vector<1xf32>
        %squeeze3A_1071 = vector.extract %slice3A_1070[0] : f32 from vector<1xf32>
        %broadcast_in_dim3A_1072 = vector.broadcast %squeeze3A_1071 : f32 to vector<16xf32>
        %mul3A_1073 = arith.constant 16 : i32
        %mul3A_1074 = arith.muli %scan3A_25, %mul3A_1073 : i32
        %add3A_1075 = arith.constant 12 : i32
        %add3A_1076 = arith.addi %mul3A_1074, %add3A_1075 : i32
        %get3A_1077 = arith.index_cast %add3A_1076 : i32 to index
        %get3A_1078 = arith.constant 0 : index
        %get3A_1079 = tpu.vector_load %arg11[%get3A_1077, %get3A_1078] {strides = array<i32>} : memref<128x128xf32, #tpu.memory_space<vmem>>, vector<1x16xf32>,
        %get3A_1080 = vector.shape_cast %get3A_1079 : vector<1x16xf32> to vector<16xf32>
        %mul3A_1081 = arith.mulf %get3A_1080, %broadcast_in_dim3A_1072 : vector<16xf32>
        %swap3A_1082 = arith.index_cast %add3A_1076 : i32 to index
        %swap3A_1083 = arith.constant 0 : index
        %swap3A_1084 = tpu.vector_load %arg11[%swap3A_1082, %swap3A_1083] {strides = array<i32>} : memref<128x128xf32, #tpu.memory_space<vmem>>, vector<1x16xf32>,
        %swap3A_1085 = vector.shape_cast %swap3A_1084 : vector<1x16xf32> to vector<16xf32>
        %swap3A_1086 = vector.shape_cast %mul3A_1081 : vector<16xf32> to vector<1x16xf32>
        tpu.vector_store %arg11[%swap3A_1082, %swap3A_1083], %swap3A_1086 {strides = array<i32>} : memref<128x128xf32, #tpu.memory_space<vmem>>, vector<1x16xf32>,
        %get3A_1087 = arith.index_cast %add3A_1076 : i32 to index
        %get3A_1088 = arith.constant 16 : index
        %get3A_1089 = tpu.vector_load %arg11[%get3A_1087, %get3A_1088] {strides = array<i32>} : memref<128x128xf32, #tpu.memory_space<vmem>>, vector<1x16xf32>,
        %get3A_1090 = vector.shape_cast %get3A_1089 : vector<1x16xf32> to vector<16xf32>
        %mul3A_1091 = arith.mulf %get3A_1090, %broadcast_in_dim3A_1072 : vector<16xf32>
        %swap3A_1092 = arith.index_cast %add3A_1076 : i32 to index
        %swap3A_1093 = arith.constant 16 : index
        %swap3A_1094 = tpu.vector_load %arg11[%swap3A_1092, %swap3A_1093] {strides = array<i32>} : memref<128x128xf32, #tpu.memory_space<vmem>>, vector<1x16xf32>,
        %swap3A_1095 = vector.shape_cast %swap3A_1094 : vector<1x16xf32> to vector<16xf32>
        %swap3A_1096 = vector.shape_cast %mul3A_1091 : vector<16xf32> to vector<1x16xf32>
        tpu.vector_store %arg11[%swap3A_1092, %swap3A_1093], %swap3A_1096 {strides = array<i32>} : memref<128x128xf32, #tpu.memory_space<vmem>>, vector<1x16xf32>,
        %get3A_1097 = arith.index_cast %add3A_1076 : i32 to index
        %get3A_1098 = arith.constant 32 : index
        %get3A_1099 = tpu.vector_load %arg11[%get3A_1097, %get3A_1098] {strides = array<i32>} : memref<128x128xf32, #tpu.memory_space<vmem>>, vector<1x16xf32>,
        %get3A_1100 = vector.shape_cast %get3A_1099 : vector<1x16xf32> to vector<16xf32>
        %mul3A_1101 = arith.mulf %get3A_1100, %broadcast_in_dim3A_1072 : vector<16xf32>
        %swap3A_1102 = arith.index_cast %add3A_1076 : i32 to index
        %swap3A_1103 = arith.constant 32 : index
        %swap3A_1104 = tpu.vector_load %arg11[%swap3A_1102, %swap3A_1103] {strides = array<i32>} : memref<128x128xf32, #tpu.memory_space<vmem>>, vector<1x16xf32>,
        %swap3A_1105 = vector.shape_cast %swap3A_1104 : vector<1x16xf32> to vector<16xf32>
        %swap3A_1106 = vector.shape_cast %mul3A_1101 : vector<16xf32> to vector<1x16xf32>
        tpu.vector_store %arg11[%swap3A_1102, %swap3A_1103], %swap3A_1106 {strides = array<i32>} : memref<128x128xf32, #tpu.memory_space<vmem>>, vector<1x16xf32>,
        %get3A_1107 = arith.index_cast %add3A_1076 : i32 to index
        %get3A_1108 = arith.constant 48 : index
        %get3A_1109 = tpu.vector_load %arg11[%get3A_1107, %get3A_1108] {strides = array<i32>} : memref<128x128xf32, #tpu.memory_space<vmem>>, vector<1x16xf32>,
        %get3A_1110 = vector.shape_cast %get3A_1109 : vector<1x16xf32> to vector<16xf32>
        %mul3A_1111 = arith.mulf %get3A_1110, %broadcast_in_dim3A_1072 : vector<16xf32>
        %swap3A_1112 = arith.index_cast %add3A_1076 : i32 to index
        %swap3A_1113 = arith.constant 48 : index
        %swap3A_1114 = tpu.vector_load %arg11[%swap3A_1112, %swap3A_1113] {strides = array<i32>} : memref<128x128xf32, #tpu.memory_space<vmem>>, vector<1x16xf32>,
        %swap3A_1115 = vector.shape_cast %swap3A_1114 : vector<1x16xf32> to vector<16xf32>
        %swap3A_1116 = vector.shape_cast %mul3A_1111 : vector<16xf32> to vector<1x16xf32>
        tpu.vector_store %arg11[%swap3A_1112, %swap3A_1113], %swap3A_1116 {strides = array<i32>} : memref<128x128xf32, #tpu.memory_space<vmem>>, vector<1x16xf32>,
        %get3A_1117 = arith.index_cast %add3A_1076 : i32 to index
        %get3A_1118 = arith.constant 64 : index
        %get3A_1119 = tpu.vector_load %arg11[%get3A_1117, %get3A_1118] {strides = array<i32>} : memref<128x128xf32, #tpu.memory_space<vmem>>, vector<1x16xf32>,
        %get3A_1120 = vector.shape_cast %get3A_1119 : vector<1x16xf32> to vector<16xf32>
        %mul3A_1121 = arith.mulf %get3A_1120, %broadcast_in_dim3A_1072 : vector<16xf32>
        %swap3A_1122 = arith.index_cast %add3A_1076 : i32 to index
        %swap3A_1123 = arith.constant 64 : index
        %swap3A_1124 = tpu.vector_load %arg11[%swap3A_1122, %swap3A_1123] {strides = array<i32>} : memref<128x128xf32, #tpu.memory_space<vmem>>, vector<1x16xf32>,
        %swap3A_1125 = vector.shape_cast %swap3A_1124 : vector<1x16xf32> to vector<16xf32>
        %swap3A_1126 = vector.shape_cast %mul3A_1121 : vector<16xf32> to vector<1x16xf32>
        tpu.vector_store %arg11[%swap3A_1122, %swap3A_1123], %swap3A_1126 {strides = array<i32>} : memref<128x128xf32, #tpu.memory_space<vmem>>, vector<1x16xf32>,
        %get3A_1127 = arith.index_cast %add3A_1076 : i32 to index
        %get3A_1128 = arith.constant 80 : index
        %get3A_1129 = tpu.vector_load %arg11[%get3A_1127, %get3A_1128] {strides = array<i32>} : memref<128x128xf32, #tpu.memory_space<vmem>>, vector<1x16xf32>,
        %get3A_1130 = vector.shape_cast %get3A_1129 : vector<1x16xf32> to vector<16xf32>
        %mul3A_1131 = arith.mulf %get3A_1130, %broadcast_in_dim3A_1072 : vector<16xf32>
        %swap3A_1132 = arith.index_cast %add3A_1076 : i32 to index
        %swap3A_1133 = arith.constant 80 : index
        %swap3A_1134 = tpu.vector_load %arg11[%swap3A_1132, %swap3A_1133] {strides = array<i32>} : memref<128x128xf32, #tpu.memory_space<vmem>>, vector<1x16xf32>,
        %swap3A_1135 = vector.shape_cast %swap3A_1134 : vector<1x16xf32> to vector<16xf32>
        %swap3A_1136 = vector.shape_cast %mul3A_1131 : vector<16xf32> to vector<1x16xf32>
        tpu.vector_store %arg11[%swap3A_1132, %swap3A_1133], %swap3A_1136 {strides = array<i32>} : memref<128x128xf32, #tpu.memory_space<vmem>>, vector<1x16xf32>,
        %get3A_1137 = arith.index_cast %add3A_1076 : i32 to index
        %get3A_1138 = arith.constant 96 : index
        %get3A_1139 = tpu.vector_load %arg11[%get3A_1137, %get3A_1138] {strides = array<i32>} : memref<128x128xf32, #tpu.memory_space<vmem>>, vector<1x16xf32>,
        %get3A_1140 = vector.shape_cast %get3A_1139 : vector<1x16xf32> to vector<16xf32>
        %mul3A_1141 = arith.mulf %get3A_1140, %broadcast_in_dim3A_1072 : vector<16xf32>
        %swap3A_1142 = arith.index_cast %add3A_1076 : i32 to index
        %swap3A_1143 = arith.constant 96 : index
        %swap3A_1144 = tpu.vector_load %arg11[%swap3A_1142, %swap3A_1143] {strides = array<i32>} : memref<128x128xf32, #tpu.memory_space<vmem>>, vector<1x16xf32>,
        %swap3A_1145 = vector.shape_cast %swap3A_1144 : vector<1x16xf32> to vector<16xf32>
        %swap3A_1146 = vector.shape_cast %mul3A_1141 : vector<16xf32> to vector<1x16xf32>
        tpu.vector_store %arg11[%swap3A_1142, %swap3A_1143], %swap3A_1146 {strides = array<i32>} : memref<128x128xf32, #tpu.memory_space<vmem>>, vector<1x16xf32>,
        %get3A_1147 = arith.index_cast %add3A_1076 : i32 to index
        %get3A_1148 = arith.constant 112 : index
        %get3A_1149 = tpu.vector_load %arg11[%get3A_1147, %get3A_1148] {strides = array<i32>} : memref<128x128xf32, #tpu.memory_space<vmem>>, vector<1x16xf32>,
        %get3A_1150 = vector.shape_cast %get3A_1149 : vector<1x16xf32> to vector<16xf32>
        %mul3A_1151 = arith.mulf %get3A_1150, %broadcast_in_dim3A_1072 : vector<16xf32>
        %swap3A_1152 = arith.index_cast %add3A_1076 : i32 to index
        %swap3A_1153 = arith.constant 112 : index
        %swap3A_1154 = tpu.vector_load %arg11[%swap3A_1152, %swap3A_1153] {strides = array<i32>} : memref<128x128xf32, #tpu.memory_space<vmem>>, vector<1x16xf32>,
        %swap3A_1155 = vector.shape_cast %swap3A_1154 : vector<1x16xf32> to vector<16xf32>
        %swap3A_1156 = vector.shape_cast %mul3A_1151 : vector<16xf32> to vector<1x16xf32>
        tpu.vector_store %arg11[%swap3A_1152, %swap3A_1153], %swap3A_1156 {strides = array<i32>} : memref<128x128xf32, #tpu.memory_space<vmem>>, vector<1x16xf32>,
        %slice3A_1157 = vector.extract_strided_slice %get3A_29 {offsets = [13], sizes = [1], strides = [1]} : vector<16xf32> to vector<1xf32>
        %squeeze3A_1158 = vector.extract %slice3A_1157[0] : f32 from vector<1xf32>
        %broadcast_in_dim3A_1159 = vector.broadcast %squeeze3A_1158 : f32 to vector<16xf32>
        %mul3A_1160 = arith.constant 16 : i32
        %mul3A_1161 = arith.muli %scan3A_25, %mul3A_1160 : i32
        %add3A_1162 = arith.constant 13 : i32
        %add3A_1163 = arith.addi %mul3A_1161, %add3A_1162 : i32
        %get3A_1164 = arith.index_cast %add3A_1163 : i32 to index
        %get3A_1165 = arith.constant 0 : index
        %get3A_1166 = tpu.vector_load %arg11[%get3A_1164, %get3A_1165] {strides = array<i32>} : memref<128x128xf32, #tpu.memory_space<vmem>>, vector<1x16xf32>,
        %get3A_1167 = vector.shape_cast %get3A_1166 : vector<1x16xf32> to vector<16xf32>
        %mul3A_1168 = arith.mulf %get3A_1167, %broadcast_in_dim3A_1159 : vector<16xf32>
        %swap3A_1169 = arith.index_cast %add3A_1163 : i32 to index
        %swap3A_1170 = arith.constant 0 : index
        %swap3A_1171 = tpu.vector_load %arg11[%swap3A_1169, %swap3A_1170] {strides = array<i32>} : memref<128x128xf32, #tpu.memory_space<vmem>>, vector<1x16xf32>,
        %swap3A_1172 = vector.shape_cast %swap3A_1171 : vector<1x16xf32> to vector<16xf32>
        %swap3A_1173 = vector.shape_cast %mul3A_1168 : vector<16xf32> to vector<1x16xf32>
        tpu.vector_store %arg11[%swap3A_1169, %swap3A_1170], %swap3A_1173 {strides = array<i32>} : memref<128x128xf32, #tpu.memory_space<vmem>>, vector<1x16xf32>,
        %get3A_1174 = arith.index_cast %add3A_1163 : i32 to index
        %get3A_1175 = arith.constant 16 : index
        %get3A_1176 = tpu.vector_load %arg11[%get3A_1174, %get3A_1175] {strides = array<i32>} : memref<128x128xf32, #tpu.memory_space<vmem>>, vector<1x16xf32>,
        %get3A_1177 = vector.shape_cast %get3A_1176 : vector<1x16xf32> to vector<16xf32>
        %mul3A_1178 = arith.mulf %get3A_1177, %broadcast_in_dim3A_1159 : vector<16xf32>
        %swap3A_1179 = arith.index_cast %add3A_1163 : i32 to index
        %swap3A_1180 = arith.constant 16 : index
        %swap3A_1181 = tpu.vector_load %arg11[%swap3A_1179, %swap3A_1180] {strides = array<i32>} : memref<128x128xf32, #tpu.memory_space<vmem>>, vector<1x16xf32>,
        %swap3A_1182 = vector.shape_cast %swap3A_1181 : vector<1x16xf32> to vector<16xf32>
        %swap3A_1183 = vector.shape_cast %mul3A_1178 : vector<16xf32> to vector<1x16xf32>
        tpu.vector_store %arg11[%swap3A_1179, %swap3A_1180], %swap3A_1183 {strides = array<i32>} : memref<128x128xf32, #tpu.memory_space<vmem>>, vector<1x16xf32>,
        %get3A_1184 = arith.index_cast %add3A_1163 : i32 to index
        %get3A_1185 = arith.constant 32 : index
        %get3A_1186 = tpu.vector_load %arg11[%get3A_1184, %get3A_1185] {strides = array<i32>} : memref<128x128xf32, #tpu.memory_space<vmem>>, vector<1x16xf32>,
        %get3A_1187 = vector.shape_cast %get3A_1186 : vector<1x16xf32> to vector<16xf32>
        %mul3A_1188 = arith.mulf %get3A_1187, %broadcast_in_dim3A_1159 : vector<16xf32>
        %swap3A_1189 = arith.index_cast %add3A_1163 : i32 to index
        %swap3A_1190 = arith.constant 32 : index
        %swap3A_1191 = tpu.vector_load %arg11[%swap3A_1189, %swap3A_1190] {strides = array<i32>} : memref<128x128xf32, #tpu.memory_space<vmem>>, vector<1x16xf32>,
        %swap3A_1192 = vector.shape_cast %swap3A_1191 : vector<1x16xf32> to vector<16xf32>
        %swap3A_1193 = vector.shape_cast %mul3A_1188 : vector<16xf32> to vector<1x16xf32>
        tpu.vector_store %arg11[%swap3A_1189, %swap3A_1190], %swap3A_1193 {strides = array<i32>} : memref<128x128xf32, #tpu.memory_space<vmem>>, vector<1x16xf32>,
        %get3A_1194 = arith.index_cast %add3A_1163 : i32 to index
        %get3A_1195 = arith.constant 48 : index
        %get3A_1196 = tpu.vector_load %arg11[%get3A_1194, %get3A_1195] {strides = array<i32>} : memref<128x128xf32, #tpu.memory_space<vmem>>, vector<1x16xf32>,
        %get3A_1197 = vector.shape_cast %get3A_1196 : vector<1x16xf32> to vector<16xf32>
        %mul3A_1198 = arith.mulf %get3A_1197, %broadcast_in_dim3A_1159 : vector<16xf32>
        %swap3A_1199 = arith.index_cast %add3A_1163 : i32 to index
        %swap3A_1200 = arith.constant 48 : index
        %swap3A_1201 = tpu.vector_load %arg11[%swap3A_1199, %swap3A_1200] {strides = array<i32>} : memref<128x128xf32, #tpu.memory_space<vmem>>, vector<1x16xf32>,
        %swap3A_1202 = vector.shape_cast %swap3A_1201 : vector<1x16xf32> to vector<16xf32>
        %swap3A_1203 = vector.shape_cast %mul3A_1198 : vector<16xf32> to vector<1x16xf32>
        tpu.vector_store %arg11[%swap3A_1199, %swap3A_1200], %swap3A_1203 {strides = array<i32>} : memref<128x128xf32, #tpu.memory_space<vmem>>, vector<1x16xf32>,
        %get3A_1204 = arith.index_cast %add3A_1163 : i32 to index
        %get3A_1205 = arith.constant 64 : index
        %get3A_1206 = tpu.vector_load %arg11[%get3A_1204, %get3A_1205] {strides = array<i32>} : memref<128x128xf32, #tpu.memory_space<vmem>>, vector<1x16xf32>,
        %get3A_1207 = vector.shape_cast %get3A_1206 : vector<1x16xf32> to vector<16xf32>
        %mul3A_1208 = arith.mulf %get3A_1207, %broadcast_in_dim3A_1159 : vector<16xf32>
        %swap3A_1209 = arith.index_cast %add3A_1163 : i32 to index
        %swap3A_1210 = arith.constant 64 : index
        %swap3A_1211 = tpu.vector_load %arg11[%swap3A_1209, %swap3A_1210] {strides = array<i32>} : memref<128x128xf32, #tpu.memory_space<vmem>>, vector<1x16xf32>,
        %swap3A_1212 = vector.shape_cast %swap3A_1211 : vector<1x16xf32> to vector<16xf32>
        %swap3A_1213 = vector.shape_cast %mul3A_1208 : vector<16xf32> to vector<1x16xf32>
        tpu.vector_store %arg11[%swap3A_1209, %swap3A_1210], %swap3A_1213 {strides = array<i32>} : memref<128x128xf32, #tpu.memory_space<vmem>>, vector<1x16xf32>,
        %get3A_1214 = arith.index_cast %add3A_1163 : i32 to index
        %get3A_1215 = arith.constant 80 : index
        %get3A_1216 = tpu.vector_load %arg11[%get3A_1214, %get3A_1215] {strides = array<i32>} : memref<128x128xf32, #tpu.memory_space<vmem>>, vector<1x16xf32>,
        %get3A_1217 = vector.shape_cast %get3A_1216 : vector<1x16xf32> to vector<16xf32>
        %mul3A_1218 = arith.mulf %get3A_1217, %broadcast_in_dim3A_1159 : vector<16xf32>
        %swap3A_1219 = arith.index_cast %add3A_1163 : i32 to index
        %swap3A_1220 = arith.constant 80 : index
        %swap3A_1221 = tpu.vector_load %arg11[%swap3A_1219, %swap3A_1220] {strides = array<i32>} : memref<128x128xf32, #tpu.memory_space<vmem>>, vector<1x16xf32>,
        %swap3A_1222 = vector.shape_cast %swap3A_1221 : vector<1x16xf32> to vector<16xf32>
        %swap3A_1223 = vector.shape_cast %mul3A_1218 : vector<16xf32> to vector<1x16xf32>
        tpu.vector_store %arg11[%swap3A_1219, %swap3A_1220], %swap3A_1223 {strides = array<i32>} : memref<128x128xf32, #tpu.memory_space<vmem>>, vector<1x16xf32>,
        %get3A_1224 = arith.index_cast %add3A_1163 : i32 to index
        %get3A_1225 = arith.constant 96 : index
        %get3A_1226 = tpu.vector_load %arg11[%get3A_1224, %get3A_1225] {strides = array<i32>} : memref<128x128xf32, #tpu.memory_space<vmem>>, vector<1x16xf32>,
        %get3A_1227 = vector.shape_cast %get3A_1226 : vector<1x16xf32> to vector<16xf32>
        %mul3A_1228 = arith.mulf %get3A_1227, %broadcast_in_dim3A_1159 : vector<16xf32>
        %swap3A_1229 = arith.index_cast %add3A_1163 : i32 to index
        %swap3A_1230 = arith.constant 96 : index
        %swap3A_1231 = tpu.vector_load %arg11[%swap3A_1229, %swap3A_1230] {strides = array<i32>} : memref<128x128xf32, #tpu.memory_space<vmem>>, vector<1x16xf32>,
        %swap3A_1232 = vector.shape_cast %swap3A_1231 : vector<1x16xf32> to vector<16xf32>
        %swap3A_1233 = vector.shape_cast %mul3A_1228 : vector<16xf32> to vector<1x16xf32>
        tpu.vector_store %arg11[%swap3A_1229, %swap3A_1230], %swap3A_1233 {strides = array<i32>} : memref<128x128xf32, #tpu.memory_space<vmem>>, vector<1x16xf32>,
        %get3A_1234 = arith.index_cast %add3A_1163 : i32 to index
        %get3A_1235 = arith.constant 112 : index
        %get3A_1236 = tpu.vector_load %arg11[%get3A_1234, %get3A_1235] {strides = array<i32>} : memref<128x128xf32, #tpu.memory_space<vmem>>, vector<1x16xf32>,
        %get3A_1237 = vector.shape_cast %get3A_1236 : vector<1x16xf32> to vector<16xf32>
        %mul3A_1238 = arith.mulf %get3A_1237, %broadcast_in_dim3A_1159 : vector<16xf32>
        %swap3A_1239 = arith.index_cast %add3A_1163 : i32 to index
        %swap3A_1240 = arith.constant 112 : index
        %swap3A_1241 = tpu.vector_load %arg11[%swap3A_1239, %swap3A_1240] {strides = array<i32>} : memref<128x128xf32, #tpu.memory_space<vmem>>, vector<1x16xf32>,
        %swap3A_1242 = vector.shape_cast %swap3A_1241 : vector<1x16xf32> to vector<16xf32>
        %swap3A_1243 = vector.shape_cast %mul3A_1238 : vector<16xf32> to vector<1x16xf32>
        tpu.vector_store %arg11[%swap3A_1239, %swap3A_1240], %swap3A_1243 {strides = array<i32>} : memref<128x128xf32, #tpu.memory_space<vmem>>, vector<1x16xf32>,
        %slice3A_1244 = vector.extract_strided_slice %get3A_29 {offsets = [14], sizes = [1], strides = [1]} : vector<16xf32> to vector<1xf32>
        %squeeze3A_1245 = vector.extract %slice3A_1244[0] : f32 from vector<1xf32>
        %broadcast_in_dim3A_1246 = vector.broadcast %squeeze3A_1245 : f32 to vector<16xf32>
        %mul3A_1247 = arith.constant 16 : i32
        %mul3A_1248 = arith.muli %scan3A_25, %mul3A_1247 : i32
        %add3A_1249 = arith.constant 14 : i32
        %add3A_1250 = arith.addi %mul3A_1248, %add3A_1249 : i32
        %get3A_1251 = arith.index_cast %add3A_1250 : i32 to index
        %get3A_1252 = arith.constant 0 : index
        %get3A_1253 = tpu.vector_load %arg11[%get3A_1251, %get3A_1252] {strides = array<i32>} : memref<128x128xf32, #tpu.memory_space<vmem>>, vector<1x16xf32>,
        %get3A_1254 = vector.shape_cast %get3A_1253 : vector<1x16xf32> to vector<16xf32>
        %mul3A_1255 = arith.mulf %get3A_1254, %broadcast_in_dim3A_1246 : vector<16xf32>
        %swap3A_1256 = arith.index_cast %add3A_1250 : i32 to index
        %swap3A_1257 = arith.constant 0 : index
        %swap3A_1258 = tpu.vector_load %arg11[%swap3A_1256, %swap3A_1257] {strides = array<i32>} : memref<128x128xf32, #tpu.memory_space<vmem>>, vector<1x16xf32>,
        %swap3A_1259 = vector.shape_cast %swap3A_1258 : vector<1x16xf32> to vector<16xf32>
        %swap3A_1260 = vector.shape_cast %mul3A_1255 : vector<16xf32> to vector<1x16xf32>
        tpu.vector_store %arg11[%swap3A_1256, %swap3A_1257], %swap3A_1260 {strides = array<i32>} : memref<128x128xf32, #tpu.memory_space<vmem>>, vector<1x16xf32>,
        %get3A_1261 = arith.index_cast %add3A_1250 : i32 to index
        %get3A_1262 = arith.constant 16 : index
        %get3A_1263 = tpu.vector_load %arg11[%get3A_1261, %get3A_1262] {strides = array<i32>} : memref<128x128xf32, #tpu.memory_space<vmem>>, vector<1x16xf32>,
        %get3A_1264 = vector.shape_cast %get3A_1263 : vector<1x16xf32> to vector<16xf32>
        %mul3A_1265 = arith.mulf %get3A_1264, %broadcast_in_dim3A_1246 : vector<16xf32>
        %swap3A_1266 = arith.index_cast %add3A_1250 : i32 to index
        %swap3A_1267 = arith.constant 16 : index
        %swap3A_1268 = tpu.vector_load %arg11[%swap3A_1266, %swap3A_1267] {strides = array<i32>} : memref<128x128xf32, #tpu.memory_space<vmem>>, vector<1x16xf32>,
        %swap3A_1269 = vector.shape_cast %swap3A_1268 : vector<1x16xf32> to vector<16xf32>
        %swap3A_1270 = vector.shape_cast %mul3A_1265 : vector<16xf32> to vector<1x16xf32>
        tpu.vector_store %arg11[%swap3A_1266, %swap3A_1267], %swap3A_1270 {strides = array<i32>} : memref<128x128xf32, #tpu.memory_space<vmem>>, vector<1x16xf32>,
        %get3A_1271 = arith.index_cast %add3A_1250 : i32 to index
        %get3A_1272 = arith.constant 32 : index
        %get3A_1273 = tpu.vector_load %arg11[%get3A_1271, %get3A_1272] {strides = array<i32>} : memref<128x128xf32, #tpu.memory_space<vmem>>, vector<1x16xf32>,
        %get3A_1274 = vector.shape_cast %get3A_1273 : vector<1x16xf32> to vector<16xf32>
        %mul3A_1275 = arith.mulf %get3A_1274, %broadcast_in_dim3A_1246 : vector<16xf32>
        %swap3A_1276 = arith.index_cast %add3A_1250 : i32 to index
        %swap3A_1277 = arith.constant 32 : index
        %swap3A_1278 = tpu.vector_load %arg11[%swap3A_1276, %swap3A_1277] {strides = array<i32>} : memref<128x128xf32, #tpu.memory_space<vmem>>, vector<1x16xf32>,
        %swap3A_1279 = vector.shape_cast %swap3A_1278 : vector<1x16xf32> to vector<16xf32>
        %swap3A_1280 = vector.shape_cast %mul3A_1275 : vector<16xf32> to vector<1x16xf32>
        tpu.vector_store %arg11[%swap3A_1276, %swap3A_1277], %swap3A_1280 {strides = array<i32>} : memref<128x128xf32, #tpu.memory_space<vmem>>, vector<1x16xf32>,
        %get3A_1281 = arith.index_cast %add3A_1250 : i32 to index
        %get3A_1282 = arith.constant 48 : index
        %get3A_1283 = tpu.vector_load %arg11[%get3A_1281, %get3A_1282] {strides = array<i32>} : memref<128x128xf32, #tpu.memory_space<vmem>>, vector<1x16xf32>,
        %get3A_1284 = vector.shape_cast %get3A_1283 : vector<1x16xf32> to vector<16xf32>
        %mul3A_1285 = arith.mulf %get3A_1284, %broadcast_in_dim3A_1246 : vector<16xf32>
        %swap3A_1286 = arith.index_cast %add3A_1250 : i32 to index
        %swap3A_1287 = arith.constant 48 : index
        %swap3A_1288 = tpu.vector_load %arg11[%swap3A_1286, %swap3A_1287] {strides = array<i32>} : memref<128x128xf32, #tpu.memory_space<vmem>>, vector<1x16xf32>,
        %swap3A_1289 = vector.shape_cast %swap3A_1288 : vector<1x16xf32> to vector<16xf32>
        %swap3A_1290 = vector.shape_cast %mul3A_1285 : vector<16xf32> to vector<1x16xf32>
        tpu.vector_store %arg11[%swap3A_1286, %swap3A_1287], %swap3A_1290 {strides = array<i32>} : memref<128x128xf32, #tpu.memory_space<vmem>>, vector<1x16xf32>,
        %get3A_1291 = arith.index_cast %add3A_1250 : i32 to index
        %get3A_1292 = arith.constant 64 : index
        %get3A_1293 = tpu.vector_load %arg11[%get3A_1291, %get3A_1292] {strides = array<i32>} : memref<128x128xf32, #tpu.memory_space<vmem>>, vector<1x16xf32>,
        %get3A_1294 = vector.shape_cast %get3A_1293 : vector<1x16xf32> to vector<16xf32>
        %mul3A_1295 = arith.mulf %get3A_1294, %broadcast_in_dim3A_1246 : vector<16xf32>
        %swap3A_1296 = arith.index_cast %add3A_1250 : i32 to index
        %swap3A_1297 = arith.constant 64 : index
        %swap3A_1298 = tpu.vector_load %arg11[%swap3A_1296, %swap3A_1297] {strides = array<i32>} : memref<128x128xf32, #tpu.memory_space<vmem>>, vector<1x16xf32>,
        %swap3A_1299 = vector.shape_cast %swap3A_1298 : vector<1x16xf32> to vector<16xf32>
        %swap3A_1300 = vector.shape_cast %mul3A_1295 : vector<16xf32> to vector<1x16xf32>
        tpu.vector_store %arg11[%swap3A_1296, %swap3A_1297], %swap3A_1300 {strides = array<i32>} : memref<128x128xf32, #tpu.memory_space<vmem>>, vector<1x16xf32>,
        %get3A_1301 = arith.index_cast %add3A_1250 : i32 to index
        %get3A_1302 = arith.constant 80 : index
        %get3A_1303 = tpu.vector_load %arg11[%get3A_1301, %get3A_1302] {strides = array<i32>} : memref<128x128xf32, #tpu.memory_space<vmem>>, vector<1x16xf32>,
        %get3A_1304 = vector.shape_cast %get3A_1303 : vector<1x16xf32> to vector<16xf32>
        %mul3A_1305 = arith.mulf %get3A_1304, %broadcast_in_dim3A_1246 : vector<16xf32>
        %swap3A_1306 = arith.index_cast %add3A_1250 : i32 to index
        %swap3A_1307 = arith.constant 80 : index
        %swap3A_1308 = tpu.vector_load %arg11[%swap3A_1306, %swap3A_1307] {strides = array<i32>} : memref<128x128xf32, #tpu.memory_space<vmem>>, vector<1x16xf32>,
        %swap3A_1309 = vector.shape_cast %swap3A_1308 : vector<1x16xf32> to vector<16xf32>
        %swap3A_1310 = vector.shape_cast %mul3A_1305 : vector<16xf32> to vector<1x16xf32>
        tpu.vector_store %arg11[%swap3A_1306, %swap3A_1307], %swap3A_1310 {strides = array<i32>} : memref<128x128xf32, #tpu.memory_space<vmem>>, vector<1x16xf32>,
        %get3A_1311 = arith.index_cast %add3A_1250 : i32 to index
        %get3A_1312 = arith.constant 96 : index
        %get3A_1313 = tpu.vector_load %arg11[%get3A_1311, %get3A_1312] {strides = array<i32>} : memref<128x128xf32, #tpu.memory_space<vmem>>, vector<1x16xf32>,
        %get3A_1314 = vector.shape_cast %get3A_1313 : vector<1x16xf32> to vector<16xf32>
        %mul3A_1315 = arith.mulf %get3A_1314, %broadcast_in_dim3A_1246 : vector<16xf32>
        %swap3A_1316 = arith.index_cast %add3A_1250 : i32 to index
        %swap3A_1317 = arith.constant 96 : index
        %swap3A_1318 = tpu.vector_load %arg11[%swap3A_1316, %swap3A_1317] {strides = array<i32>} : memref<128x128xf32, #tpu.memory_space<vmem>>, vector<1x16xf32>,
        %swap3A_1319 = vector.shape_cast %swap3A_1318 : vector<1x16xf32> to vector<16xf32>
        %swap3A_1320 = vector.shape_cast %mul3A_1315 : vector<16xf32> to vector<1x16xf32>
        tpu.vector_store %arg11[%swap3A_1316, %swap3A_1317], %swap3A_1320 {strides = array<i32>} : memref<128x128xf32, #tpu.memory_space<vmem>>, vector<1x16xf32>,
        %get3A_1321 = arith.index_cast %add3A_1250 : i32 to index
        %get3A_1322 = arith.constant 112 : index
        %get3A_1323 = tpu.vector_load %arg11[%get3A_1321, %get3A_1322] {strides = array<i32>} : memref<128x128xf32, #tpu.memory_space<vmem>>, vector<1x16xf32>,
        %get3A_1324 = vector.shape_cast %get3A_1323 : vector<1x16xf32> to vector<16xf32>
        %mul3A_1325 = arith.mulf %get3A_1324, %broadcast_in_dim3A_1246 : vector<16xf32>
        %swap3A_1326 = arith.index_cast %add3A_1250 : i32 to index
        %swap3A_1327 = arith.constant 112 : index
        %swap3A_1328 = tpu.vector_load %arg11[%swap3A_1326, %swap3A_1327] {strides = array<i32>} : memref<128x128xf32, #tpu.memory_space<vmem>>, vector<1x16xf32>,
        %swap3A_1329 = vector.shape_cast %swap3A_1328 : vector<1x16xf32> to vector<16xf32>
        %swap3A_1330 = vector.shape_cast %mul3A_1325 : vector<16xf32> to vector<1x16xf32>
        tpu.vector_store %arg11[%swap3A_1326, %swap3A_1327], %swap3A_1330 {strides = array<i32>} : memref<128x128xf32, #tpu.memory_space<vmem>>, vector<1x16xf32>,
        %slice3A_1331 = vector.extract_strided_slice %get3A_29 {offsets = [15], sizes = [1], strides = [1]} : vector<16xf32> to vector<1xf32>
        %squeeze3A_1332 = vector.extract %slice3A_1331[0] : f32 from vector<1xf32>
        %broadcast_in_dim3A_1333 = vector.broadcast %squeeze3A_1332 : f32 to vector<16xf32>
        %mul3A_1334 = arith.constant 16 : i32
        %mul3A_1335 = arith.muli %scan3A_25, %mul3A_1334 : i32
        %add3A_1336 = arith.constant 15 : i32
        %add3A_1337 = arith.addi %mul3A_1335, %add3A_1336 : i32
        %get3A_1338 = arith.index_cast %add3A_1337 : i32 to index
        %get3A_1339 = arith.constant 0 : index
        %get3A_1340 = tpu.vector_load %arg11[%get3A_1338, %get3A_1339] {strides = array<i32>} : memref<128x128xf32, #tpu.memory_space<vmem>>, vector<1x16xf32>,
        %get3A_1341 = vector.shape_cast %get3A_1340 : vector<1x16xf32> to vector<16xf32>
        %mul3A_1342 = arith.mulf %get3A_1341, %broadcast_in_dim3A_1333 : vector<16xf32>
        %swap3A_1343 = arith.index_cast %add3A_1337 : i32 to index
        %swap3A_1344 = arith.constant 0 : index
        %swap3A_1345 = tpu.vector_load %arg11[%swap3A_1343, %swap3A_1344] {strides = array<i32>} : memref<128x128xf32, #tpu.memory_space<vmem>>, vector<1x16xf32>,
        %swap3A_1346 = vector.shape_cast %swap3A_1345 : vector<1x16xf32> to vector<16xf32>
        %swap3A_1347 = vector.shape_cast %mul3A_1342 : vector<16xf32> to vector<1x16xf32>
        tpu.vector_store %arg11[%swap3A_1343, %swap3A_1344], %swap3A_1347 {strides = array<i32>} : memref<128x128xf32, #tpu.memory_space<vmem>>, vector<1x16xf32>,
        %get3A_1348 = arith.index_cast %add3A_1337 : i32 to index
        %get3A_1349 = arith.constant 16 : index
        %get3A_1350 = tpu.vector_load %arg11[%get3A_1348, %get3A_1349] {strides = array<i32>} : memref<128x128xf32, #tpu.memory_space<vmem>>, vector<1x16xf32>,
        %get3A_1351 = vector.shape_cast %get3A_1350 : vector<1x16xf32> to vector<16xf32>
        %mul3A_1352 = arith.mulf %get3A_1351, %broadcast_in_dim3A_1333 : vector<16xf32>
        %swap3A_1353 = arith.index_cast %add3A_1337 : i32 to index
        %swap3A_1354 = arith.constant 16 : index
        %swap3A_1355 = tpu.vector_load %arg11[%swap3A_1353, %swap3A_1354] {strides = array<i32>} : memref<128x128xf32, #tpu.memory_space<vmem>>, vector<1x16xf32>,
        %swap3A_1356 = vector.shape_cast %swap3A_1355 : vector<1x16xf32> to vector<16xf32>
        %swap3A_1357 = vector.shape_cast %mul3A_1352 : vector<16xf32> to vector<1x16xf32>
        tpu.vector_store %arg11[%swap3A_1353, %swap3A_1354], %swap3A_1357 {strides = array<i32>} : memref<128x128xf32, #tpu.memory_space<vmem>>, vector<1x16xf32>,
        %get3A_1358 = arith.index_cast %add3A_1337 : i32 to index
        %get3A_1359 = arith.constant 32 : index
        %get3A_1360 = tpu.vector_load %arg11[%get3A_1358, %get3A_1359] {strides = array<i32>} : memref<128x128xf32, #tpu.memory_space<vmem>>, vector<1x16xf32>,
        %get3A_1361 = vector.shape_cast %get3A_1360 : vector<1x16xf32> to vector<16xf32>
        %mul3A_1362 = arith.mulf %get3A_1361, %broadcast_in_dim3A_1333 : vector<16xf32>
        %swap3A_1363 = arith.index_cast %add3A_1337 : i32 to index
        %swap3A_1364 = arith.constant 32 : index
        %swap3A_1365 = tpu.vector_load %arg11[%swap3A_1363, %swap3A_1364] {strides = array<i32>} : memref<128x128xf32, #tpu.memory_space<vmem>>, vector<1x16xf32>,
        %swap3A_1366 = vector.shape_cast %swap3A_1365 : vector<1x16xf32> to vector<16xf32>
        %swap3A_1367 = vector.shape_cast %mul3A_1362 : vector<16xf32> to vector<1x16xf32>
        tpu.vector_store %arg11[%swap3A_1363, %swap3A_1364], %swap3A_1367 {strides = array<i32>} : memref<128x128xf32, #tpu.memory_space<vmem>>, vector<1x16xf32>,
        %get3A_1368 = arith.index_cast %add3A_1337 : i32 to index
        %get3A_1369 = arith.constant 48 : index
        %get3A_1370 = tpu.vector_load %arg11[%get3A_1368, %get3A_1369] {strides = array<i32>} : memref<128x128xf32, #tpu.memory_space<vmem>>, vector<1x16xf32>,
        %get3A_1371 = vector.shape_cast %get3A_1370 : vector<1x16xf32> to vector<16xf32>
        %mul3A_1372 = arith.mulf %get3A_1371, %broadcast_in_dim3A_1333 : vector<16xf32>
        %swap3A_1373 = arith.index_cast %add3A_1337 : i32 to index
        %swap3A_1374 = arith.constant 48 : index
        %swap3A_1375 = tpu.vector_load %arg11[%swap3A_1373, %swap3A_1374] {strides = array<i32>} : memref<128x128xf32, #tpu.memory_space<vmem>>, vector<1x16xf32>,
        %swap3A_1376 = vector.shape_cast %swap3A_1375 : vector<1x16xf32> to vector<16xf32>
        %swap3A_1377 = vector.shape_cast %mul3A_1372 : vector<16xf32> to vector<1x16xf32>
        tpu.vector_store %arg11[%swap3A_1373, %swap3A_1374], %swap3A_1377 {strides = array<i32>} : memref<128x128xf32, #tpu.memory_space<vmem>>, vector<1x16xf32>,
        %get3A_1378 = arith.index_cast %add3A_1337 : i32 to index
        %get3A_1379 = arith.constant 64 : index
        %get3A_1380 = tpu.vector_load %arg11[%get3A_1378, %get3A_1379] {strides = array<i32>} : memref<128x128xf32, #tpu.memory_space<vmem>>, vector<1x16xf32>,
        %get3A_1381 = vector.shape_cast %get3A_1380 : vector<1x16xf32> to vector<16xf32>
        %mul3A_1382 = arith.mulf %get3A_1381, %broadcast_in_dim3A_1333 : vector<16xf32>
        %swap3A_1383 = arith.index_cast %add3A_1337 : i32 to index
        %swap3A_1384 = arith.constant 64 : index
        %swap3A_1385 = tpu.vector_load %arg11[%swap3A_1383, %swap3A_1384] {strides = array<i32>} : memref<128x128xf32, #tpu.memory_space<vmem>>, vector<1x16xf32>,
        %swap3A_1386 = vector.shape_cast %swap3A_1385 : vector<1x16xf32> to vector<16xf32>
        %swap3A_1387 = vector.shape_cast %mul3A_1382 : vector<16xf32> to vector<1x16xf32>
        tpu.vector_store %arg11[%swap3A_1383, %swap3A_1384], %swap3A_1387 {strides = array<i32>} : memref<128x128xf32, #tpu.memory_space<vmem>>, vector<1x16xf32>,
        %get3A_1388 = arith.index_cast %add3A_1337 : i32 to index
        %get3A_1389 = arith.constant 80 : index
        %get3A_1390 = tpu.vector_load %arg11[%get3A_1388, %get3A_1389] {strides = array<i32>} : memref<128x128xf32, #tpu.memory_space<vmem>>, vector<1x16xf32>,
        %get3A_1391 = vector.shape_cast %get3A_1390 : vector<1x16xf32> to vector<16xf32>
        %mul3A_1392 = arith.mulf %get3A_1391, %broadcast_in_dim3A_1333 : vector<16xf32>
        %swap3A_1393 = arith.index_cast %add3A_1337 : i32 to index
        %swap3A_1394 = arith.constant 80 : index
        %swap3A_1395 = tpu.vector_load %arg11[%swap3A_1393, %swap3A_1394] {strides = array<i32>} : memref<128x128xf32, #tpu.memory_space<vmem>>, vector<1x16xf32>,
        %swap3A_1396 = vector.shape_cast %swap3A_1395 : vector<1x16xf32> to vector<16xf32>
        %swap3A_1397 = vector.shape_cast %mul3A_1392 : vector<16xf32> to vector<1x16xf32>
        tpu.vector_store %arg11[%swap3A_1393, %swap3A_1394], %swap3A_1397 {strides = array<i32>} : memref<128x128xf32, #tpu.memory_space<vmem>>, vector<1x16xf32>,
        %get3A_1398 = arith.index_cast %add3A_1337 : i32 to index
        %get3A_1399 = arith.constant 96 : index
        %get3A_1400 = tpu.vector_load %arg11[%get3A_1398, %get3A_1399] {strides = array<i32>} : memref<128x128xf32, #tpu.memory_space<vmem>>, vector<1x16xf32>,
        %get3A_1401 = vector.shape_cast %get3A_1400 : vector<1x16xf32> to vector<16xf32>
        %mul3A_1402 = arith.mulf %get3A_1401, %broadcast_in_dim3A_1333 : vector<16xf32>
        %swap3A_1403 = arith.index_cast %add3A_1337 : i32 to index
        %swap3A_1404 = arith.constant 96 : index
        %swap3A_1405 = tpu.vector_load %arg11[%swap3A_1403, %swap3A_1404] {strides = array<i32>} : memref<128x128xf32, #tpu.memory_space<vmem>>, vector<1x16xf32>,
        %swap3A_1406 = vector.shape_cast %swap3A_1405 : vector<1x16xf32> to vector<16xf32>
        %swap3A_1407 = vector.shape_cast %mul3A_1402 : vector<16xf32> to vector<1x16xf32>
        tpu.vector_store %arg11[%swap3A_1403, %swap3A_1404], %swap3A_1407 {strides = array<i32>} : memref<128x128xf32, #tpu.memory_space<vmem>>, vector<1x16xf32>,
        %get3A_1408 = arith.index_cast %add3A_1337 : i32 to index
        %get3A_1409 = arith.constant 112 : index
        %get3A_1410 = tpu.vector_load %arg11[%get3A_1408, %get3A_1409] {strides = array<i32>} : memref<128x128xf32, #tpu.memory_space<vmem>>, vector<1x16xf32>,
        %get3A_1411 = vector.shape_cast %get3A_1410 : vector<1x16xf32> to vector<16xf32>
        %mul3A_1412 = arith.mulf %get3A_1411, %broadcast_in_dim3A_1333 : vector<16xf32>
        %swap3A_1413 = arith.index_cast %add3A_1337 : i32 to index
        %swap3A_1414 = arith.constant 112 : index
        %swap3A_1415 = tpu.vector_load %arg11[%swap3A_1413, %swap3A_1414] {strides = array<i32>} : memref<128x128xf32, #tpu.memory_space<vmem>>, vector<1x16xf32>,
        %swap3A_1416 = vector.shape_cast %swap3A_1415 : vector<1x16xf32> to vector<16xf32>
        %swap3A_1417 = vector.shape_cast %mul3A_1412 : vector<16xf32> to vector<1x16xf32>
        tpu.vector_store %arg11[%swap3A_1413, %swap3A_1414], %swap3A_1417 {strides = array<i32>} : memref<128x128xf32, #tpu.memory_space<vmem>>, vector<1x16xf32>,
      }
      %scan3A_24 = arith.constant 8 : i32
      "tpu.region"() ({
        %run_scoped3A = tpu.sem_alloc : memref<!tpu.dma_semaphore, #tpu.memory_space<semaphore_mem>>
        %dma_start3A_25 = arith.constant 0 : i32
        %dma_start3A_26 = arith.constant 0 : i32
        %dma_start3A_27 = tpu.memref_slice %arg12[%dma_start3A_25, %dma_start3A_26] : memref<10240x128xf32, #tpu.memory_space<vmem_shared>> -> memref<10240x128xf32, #tpu.memory_space<vmem_shared>>
        tpu.enqueue_indirect_dma source(%arg11 : memref<128x128xf32, #tpu.memory_space<vmem>>) target(%dma_start3A_27 : memref<10240x128xf32, #tpu.memory_space<vmem_shared>>) offsets(%arg9 : memref<128xi32, #tpu.memory_space<vmem>>) semaphore(%run_scoped3A : memref<!tpu.dma_semaphore, #tpu.memory_space<semaphore_mem>>) {add = true}
        %dma_wait3A_28 = arith.constant 0 : i32
        %dma_wait3A_29 = arith.constant 0 : i32
        %dma_wait3A_30 = tpu.memref_slice %arg12[%dma_wait3A_28, %dma_wait3A_29] : memref<10240x128xf32, #tpu.memory_space<vmem_shared>> -> memref<10240x128xf32, #tpu.memory_space<vmem_shared>>
        tpu.wait_indirect_dma semaphore(%run_scoped3A : memref<!tpu.dma_semaphore, #tpu.memory_space<semaphore_mem>>) src(%arg11 : memref<128x128xf32, #tpu.memory_space<vmem>>) dst(%dma_wait3A_30 : memref<10240x128xf32, #tpu.memory_space<vmem_shared>>)
        tpu.yield
      }) : () -> ()
    }
    %scan3A_9 = arith.constant 79 : i32
    %barrier3A_10 = arith.constant 0 : index
    tpu.barrier barrier_id(%barrier3A_10)
    "tpu.region"() ({
      %run_scoped3A = tpu.sem_alloc : memref<!tpu.dma_semaphore, #tpu.memory_space<semaphore_mem>>
      %dma_start3A = arith.constant 0 : i32
      %dma_start3A_11 = tpu.memref_slice %arg7[%arg0, %mul3A_0, %dma_start3A] : memref<2x10240x128xf32, #tpu.memory_space<hbm>> -> memref<1x640x128xf32, #tpu.memory_space<hbm>>
      %dma_start3A_12 = tpu.memref_squeeze %dma_start3A_11 : memref<1x640x128xf32, #tpu.memory_space<hbm>> -> memref<640x128xf32, #tpu.memory_space<hbm>>
      %dma_start3A_13 = arith.constant 0 : i32
      %dma_start3A_14 = tpu.memref_slice %arg12[%mul3A_0, %dma_start3A_13] : memref<10240x128xf32, #tpu.memory_space<vmem_shared>> -> memref<640x128xf32, #tpu.memory_space<vmem_shared>>
      tpu.enqueue_dma source(%dma_start3A_14 : memref<640x128xf32, #tpu.memory_space<vmem_shared>>) target(%dma_start3A_12 : memref<640x128xf32, #tpu.memory_space<hbm>>) target_semaphore(%run_scoped3A : memref<!tpu.dma_semaphore, #tpu.memory_space<semaphore_mem>>)
      %dma_wait3A = arith.constant 0 : i32
      %dma_wait3A_15 = tpu.memref_slice %arg7[%arg0, %mul3A_0, %dma_wait3A] : memref<2x10240x128xf32, #tpu.memory_space<hbm>> -> memref<1x640x128xf32, #tpu.memory_space<hbm>>
      %dma_wait3A_16 = tpu.memref_squeeze %dma_wait3A_15 : memref<1x640x128xf32, #tpu.memory_space<hbm>> -> memref<640x128xf32, #tpu.memory_space<hbm>>
      %dma_wait3A_17 = arith.constant 0 : i32
      %dma_wait3A_18 = tpu.memref_slice %arg12[%mul3A_0, %dma_wait3A_17] : memref<10240x128xf32, #tpu.memory_space<vmem_shared>> -> memref<640x128xf32, #tpu.memory_space<vmem_shared>>
      tpu.wait_dma2 semaphore(%run_scoped3A : memref<!tpu.dma_semaphore, #tpu.memory_space<semaphore_mem>>) src(%dma_wait3A_18 : memref<640x128xf32, #tpu.memory_space<vmem_shared>>) dst(%dma_wait3A_16 : memref<640x128xf32, #tpu.memory_space<hbm>>)
      tpu.yield
    }) : () -> ()
    return
  }
}

module attributes {stable_mosaic.version = 14 : i64} {
  func.func @_mlp_body(%arg0: i32, %arg1: memref<640x128xf32, #tpu.memory_space<vmem>>, %arg2: memref<640x128xf32, #tpu.memory_space<vmem>>, %arg3: memref<128x128xf32, #tpu.memory_space<vmem>>, %arg4: memref<128x128xf32, #tpu.memory_space<vmem>>, %arg5: memref<128x128xf32, #tpu.memory_space<vmem>>, %arg6: memref<640x128xf32, #tpu.memory_space<vmem>>) attributes {dimension_semantics = [#tpu.dimension_semantics<arbitrary>], iteration_bounds = array<i64: 16>, scalar_prefetch = 0 : i64, scratch_operands = 0 : i64, tpu.core_type = #tpu.core_type<tc>, window_params = [{transform_indices = @transform_0, window_bounds = array<i64: 640, 128>}, {transform_indices = @transform_1, window_bounds = array<i64: 640, 128>}, {pipeline_mode = #tpu.pipeline_mode<synchronous>, transform_indices = @transform_2, window_bounds = array<i64: 128, 128>}, {pipeline_mode = #tpu.pipeline_mode<synchronous>, transform_indices = @transform_3, window_bounds = array<i64: 128, 128>}, {pipeline_mode = #tpu.pipeline_mode<synchronous>, transform_indices = @transform_4, window_bounds = array<i64: 128, 128>}, {transform_indices = @transform_5, window_bounds = array<i64: 640, 128>}]} {
    %get3A = arith.constant 0 : index
    %get3A_0 = arith.constant 0 : index
    %get3A_1 = vector.load %arg1[%get3A, %get3A_0] : memref<640x128xf32, #tpu.memory_space<vmem>>, vector<640x128xf32>
    %get3A_2 = arith.constant 0 : index
    %get3A_3 = arith.constant 0 : index
    %get3A_4 = vector.load %arg2[%get3A_2, %get3A_3] : memref<640x128xf32, #tpu.memory_space<vmem>>, vector<640x128xf32>
    %add3A = arith.addf %get3A_1, %get3A_4 : vector<640x128xf32>
    %get3A_5 = arith.constant 0 : index
    %get3A_6 = arith.constant 0 : index
    %get3A_7 = vector.load %arg3[%get3A_5, %get3A_6] : memref<128x128xf32, #tpu.memory_space<vmem>>, vector<128x128xf32>
    %dot_general3A = arith.constant dense<0.000000e+00> : vector<640x128xf32>
    %dot_general3A_8 = tpu.matmul %add3A, %get3A_7, %dot_general3A {dimension_numbers = #tpu.dot_dimension_numbers<[1], [0], [0], [1], [0, 0, 1, 1], [], []>, transpose_lhs_hint = false} : vector<640x128xf32>, vector<128x128xf32>, vector<640x128xf32> -> vector<640x128xf32>
    %max3A = arith.constant 0.000000e+00 : f32
    %max3A_9 = vector.broadcast %max3A : f32 to vector<640x128xf32>
    %max3A_10 = arith.maximumf %dot_general3A_8, %max3A_9 : vector<640x128xf32>
    %get3A_11 = arith.constant 0 : index
    %get3A_12 = arith.constant 0 : index
    %get3A_13 = vector.load %arg4[%get3A_11, %get3A_12] : memref<128x128xf32, #tpu.memory_space<vmem>>, vector<128x128xf32>
    %dot_general3A_14 = arith.constant dense<0.000000e+00> : vector<640x128xf32>
    %dot_general3A_15 = tpu.matmul %max3A_10, %get3A_13, %dot_general3A_14 {dimension_numbers = #tpu.dot_dimension_numbers<[1], [0], [0], [1], [0, 0, 1, 1], [], []>, transpose_lhs_hint = false} : vector<640x128xf32>, vector<128x128xf32>, vector<640x128xf32> -> vector<640x128xf32>
    %max3A_16 = arith.constant 0.000000e+00 : f32
    %max3A_17 = vector.broadcast %max3A_16 : f32 to vector<640x128xf32>
    %max3A_18 = arith.maximumf %dot_general3A_15, %max3A_17 : vector<640x128xf32>
    %get3A_19 = arith.constant 0 : index
    %get3A_20 = arith.constant 0 : index
    %get3A_21 = vector.load %arg5[%get3A_19, %get3A_20] : memref<128x128xf32, #tpu.memory_space<vmem>>, vector<128x128xf32>
    %dot_general3A_22 = arith.constant dense<0.000000e+00> : vector<640x128xf32>
    %dot_general3A_23 = tpu.matmul %max3A_18, %get3A_21, %dot_general3A_22 {dimension_numbers = #tpu.dot_dimension_numbers<[1], [0], [0], [1], [0, 0, 1, 1], [], []>, transpose_lhs_hint = false} : vector<640x128xf32>, vector<128x128xf32>, vector<640x128xf32> -> vector<640x128xf32>
    %swap3A = arith.constant 0 : index
    %swap3A_24 = arith.constant 0 : index
    %swap3A_25 = vector.load %arg6[%swap3A, %swap3A_24] : memref<640x128xf32, #tpu.memory_space<vmem>>, vector<640x128xf32>
    tpu.vector_store %arg6[%swap3A, %swap3A_24], %dot_general3A_23 {strides = array<i32>} : memref<640x128xf32, #tpu.memory_space<vmem>>, vector<640x128xf32>,
    return
  }
  func.func @transform_0(%arg0: i32) -> (i32, i32) {
    %c0_i32 = arith.constant 0 : i32
    %c0_i32_0 = arith.constant 0 : i32
    return %arg0, %c0_i32 : i32, i32
  }
  func.func @transform_1(%arg0: i32) -> (i32, i32) {
    %c0_i32 = arith.constant 0 : i32
    %c0_i32_0 = arith.constant 0 : i32
    return %arg0, %c0_i32 : i32, i32
  }
  func.func @transform_2(%arg0: i32) -> (i32, i32) {
    %c0_i32 = arith.constant 0 : i32
    %c0_i32_0 = arith.constant 0 : i32
    %c0_i32_1 = arith.constant 0 : i32
    return %c0_i32, %c0_i32_0 : i32, i32
  }
  func.func @transform_3(%arg0: i32) -> (i32, i32) {
    %c0_i32 = arith.constant 0 : i32
    %c0_i32_0 = arith.constant 0 : i32
    %c0_i32_1 = arith.constant 0 : i32
    return %c0_i32, %c0_i32_0 : i32, i32
  }
  func.func @transform_4(%arg0: i32) -> (i32, i32) {
    %c0_i32 = arith.constant 0 : i32
    %c0_i32_0 = arith.constant 0 : i32
    %c0_i32_1 = arith.constant 0 : i32
    return %c0_i32, %c0_i32_0 : i32, i32
  }
  func.func @transform_5(%arg0: i32) -> (i32, i32) {
    %c0_i32 = arith.constant 0 : i32
    %c0_i32_0 = arith.constant 0 : i32
    return %arg0, %c0_i32 : i32, i32
  }
}

</mosaic_0001>

<sc_bundles>
// kernel: kernel.4.cloned.1.call-start
scs
__scs_entry_jumppad:
0x0: {  	(pc) =	sbr.rel $0x88, $3  }
0x1: {  	(tag) =	ssettag $0x0;
	lr =	simm.s32 $0x1  }
0x2: {  	[smem:$0x3F9B] =	sst lr;
	_ =	strace $0xD0000000  }
0x3: {  	_ = 	snop  }
0x4: {  	_ = 	snop  }
0x5: {  	_ = 	snop  }
0x6: {  	_ = 	snop  }
0x7: {  	_ = 	snop  }
__scs_overlays_trampoline_lowered:
0x8: {  	[smem:$0x3FAA] =	sst s0  }
0x9: {  	[smem:$0x3FAB] =	sst s1  }
0xa: {  	[smem:$0x3FAC] =	sst s2  }
0xb: {  	[smem:$0x3FAD] =	sst s3  }
0xc: {  	[smem:$0x3FAE] =	sst s4  }
0xd: {  	[smem:$0x3FAF] =	sst s5  }
0xe: {  	[smem:$0x3FB0] =	sst s6  }
0xf: {  	[smem:$0x3FB1] =	sst s7  }
0x10: {  	[smem:$0x3FB2] =	sst s8  }
0x11: {  	[smem:$0x3FB3] =	sst s9;
	s0 =	simm.s32 @!p0 $0x0  }
0x12: {  	s1 =	sld [smem:$0x3F99];
	s0 =	simm.s32 @p0 $0x1  }
0x13: {  	[smem:$0x3FB4] =	sst s0;
	s0 =	simm.s32 @!p1 $0x0  }
0x14: {  	s2 =	sld [smem:$0x3F98];
	s0 =	simm.s32 @p1 $0x1  }
0x15: {  	[smem:$0x3FB5] =	sst s0;
	s0 =	simm.s32 @!p2 $0x0  }
0x16: {  	s3 =	sld [smem:$0x3FDB];
	s0 =	simm.s32 @p2 $0x1  }
0x17: {  	s4 =	simm.s32 $0x1BF5;
	[smem:$0x3FB7] =	sst s0  }
0x18: {  	s0 =	sld [smem:$0x3F9A];
	_ =	swait.ge [sflag:s4], $0x0  }
0x19: {  	s7 =	sld [smem:$0x3F9B]  }
0x1a: {  	s8 =	sadd.s32 $0xFFFFE003, lr  }
0x1b: {  	s9 =	sadd.s32 $0xFFFFFEF7, lr;
	s5 =	simm.s32 $0xFFFFFFFF;
	p2 =	slt.u32 s8, $0xFFFFF086  }
0x1c: {  	p1 =	slt.u32 s9, $0xF7A;
	s5 =	simm.s32 @!p2 $0x0  }
0x1d: {  	s5 =	simm.s32 @p1 $0x1;
	p0 =	seq.s32 s7, s2  }
0x1e: {  	s7 =	smul.u32 @!p0 $0xF7A, s2;
	p2 =	seq.s32 @!p0 s5, $0x0  }
0x1f: {  	s9 =	smul.u32 $0xF7A, s1;
	s8 =	simm.s32 @!p0 $0x1BF5;
	p2 =	por !p2, p0  }
0x20: {  	[sflag:s8] =	ssyncset.s32 @!p0 $0xFFFFF086;
	s6 =	sadd.s32 @!p0 s3, s7;
	s7 =	simm.s32 @!p0 $0x108  }
0x21: {  	s3 =	sadd.s32 s3, s9;
	s6 =	sadd.s32 @!p0 $0x88, s6;
	s7 =	simm.s32 @p2 $0x1082  }
0x22: {  	[simem:s7], [sflag:s8] =	dma.local @!p0 [hbm:s6], $0xF7A  }
0x23: {  	s9 =	sor.u32 $0xD0000000, s2;
	s6 =	simm.s32 $0x108;
	_ =	swait.ge @!p0 [sflag:s8], $0x0  }
0x24: {  	s3 =	sadd.s32 $0x88, s3;
	s6 =	simm.s32 @!p1 $0x1082;
	[sflag:s4] =	ssyncset.s32 $0xFFFFF086  }
0x25: {  	[simem:s6], [sflag:s4] =	dma.local [hbm:s3], $0xF7A  }
0x26: {  	[smem:$0x3F9B] =	sst s1;
	(tag) =	ssettag s2;
	_ =	strace s9  }
0x27: {  	s1 =	sld [smem:$0x3FAB]  }
0x28: {  	s2 =	sld [smem:$0x3FAC]  }
0x29: {  	s4 =	sld [smem:$0x3FAE]  }
0x2a: {  	p0 =	seq.s32 s5, $0x0;
	s5 =	sld [smem:$0x3FAF]  }
0x2b: {  	s6 =	sld [smem:$0x3FB0]  }
0x2c: {  	s7 =	sld [smem:$0x3FB1]  }
0x2d: {  	s3 =	simm.s32 $0x108;
	s8 =	sld [smem:$0x3FB2]  }
0x2e: {  	s3 =	simm.s32 @!p0 $0x1082;
	s9 =	sld [smem:$0x3FB3]  }
0x2f: {  	lr =	sadd.s32 s0, s3;
	s0 =	sld [smem:$0x3FAA]  }
0x30: {  	s3 =	sld [smem:$0x3FAD]  }
0x31: {  	[smem:$0x3FB6] =	sst s10  }
0x32: {  	s10 =	sld [smem:$0x3FB4];
	_ =	sdelay $0x3  }
0x33: {  	p0 =	seq.s32 s10, $0x1;
	s10 =	sld [smem:$0x3FB6];
	_ =	sdelay $0x3  }
0x34: {  	[smem:$0x3FB6] =	sst s10  }
0x35: {  	s10 =	sld [smem:$0x3FB5];
	_ =	sdelay $0x3  }
0x36: {  	p1 =	seq.s32 s10, $0x1;
	s10 =	sld [smem:$0x3FB6];
	_ =	sdelay $0x3  }
0x37: {  	[smem:$0x3FB6] =	sst s10  }
0x38: {  	s10 =	sld [smem:$0x3FB7]  }
0x39: {  	_ = 	snop;
	(pc) =	sbr.ind lr, $3  }
0x3a: {  	_ = 	snop  }
0x3b: {  	_ = 	snop  }
0x3c: {  	p2 =	seq.s32 s10, $0x1;
	s10 =	sld [smem:$0x3FB6]  }
0x3d: {  	_ =	shalt  }
0x3e: {  	_ =	shalt  }
0x3f: {  	_ =	shalt  }
0x40: {  	_ =	shalt  }
0x41: {  	_ =	shalt  }
0x42: {  	_ =	shalt  }
0x43: {  	_ =	shalt  }
0x44: {  	_ =	shalt  }
0x45: {  	_ =	shalt  }
0x46: {  	_ =	shalt  }
0x47: {  	_ =	shalt  }
0x48: {  	_ =	shalt  }
0x49: {  	_ =	shalt  }
0x4a: {  	_ =	shalt  }
0x4b: {  	_ =	shalt  }
0x4c: {  	_ =	shalt  }
0x4d: {  	_ =	shalt  }
0x4e: {  	_ =	shalt  }
0x4f: {  	_ =	shalt  }
0x50: {  	_ =	shalt  }
0x51: {  	_ =	shalt  }
0x52: {  	_ =	shalt  }
0x53: {  	_ =	shalt  }
0x54: {  	_ =	shalt  }
0x55: {  	_ =	shalt  }
0x56: {  	_ =	shalt  }
0x57: {  	_ =	shalt  }
0x58: {  	_ =	shalt  }
0x59: {  	_ =	shalt  }
0x5a: {  	_ =	shalt  }
0x5b: {  	_ =	shalt  }
0x5c: {  	_ =	shalt  }
0x5d: {  	_ =	shalt  }
0x5e: {  	_ =	shalt  }
0x5f: {  	_ =	shalt  }
0x60: {  	_ =	shalt  }
0x61: {  	_ =	shalt  }
0x62: {  	_ =	shalt  }
0x63: {  	_ =	shalt  }
0x64: {  	_ =	shalt  }
0x65: {  	_ =	shalt  }
0x66: {  	_ =	shalt  }
0x67: {  	_ =	shalt  }
0x68: {  	_ =	shalt  }
0x69: {  	_ =	shalt  }
0x6a: {  	_ =	shalt  }
0x6b: {  	_ =	shalt  }
0x6c: {  	_ =	shalt  }
0x6d: {  	_ =	shalt  }
0x6e: {  	_ =	shalt  }
0x6f: {  	_ =	shalt  }
0x70: {  	_ =	shalt  }
0x71: {  	_ =	shalt  }
0x72: {  	_ =	shalt  }
0x73: {  	_ =	shalt  }
0x74: {  	_ =	shalt  }
0x75: {  	_ =	shalt  }
0x76: {  	_ =	shalt  }
0x77: {  	_ =	shalt  }
0x78: {  	_ =	shalt  }
0x79: {  	_ =	shalt  }
0x7a: {  	_ =	shalt  }
0x7b: {  	_ =	shalt  }
0x7c: {  	_ =	shalt  }
0x7d: {  	_ =	shalt  }
0x7e: {  	_ =	shalt  }
0x7f: {  	_ =	shalt  }
0x80: {  	_ =	shalt  }
0x81: {  	_ =	shalt  }
0x82: {  	_ =	shalt  }
0x83: {  	_ =	shalt  }
0x84: {  	_ =	shalt  }
0x85: {  	_ =	shalt  }
0x86: {  	_ =	shalt  }
0x87: {  	_ =	shalt  }
.Lfunc_end0:
.L_simem_size_0:
called_computation_lowered:
.L_overlay_start_0:
0x88: {  	s2 =	sld [smem:$0x3FD9]  }
0x89: {  	s3 =	sld [smem:$0x3FFE];
	_ =	sdelay $0x1  }
0x8a: {  	s1 =	srdreg.scid  }
0x8b: {  	s0 =	sand.u32 $0x1, s1  }
0x8c: {  	s17 =	sshll.u32 s0, $0xA;
	s2 =	sadd.s32 s3, s2  }
0x8d: {  	s2 =	sadd.s32 s2, s17  }
0x8e: {  	[smem:$0x3FC2] =	sst s2  }
0x8f: {  	_ = 	snop  }
0x90: {  	s2 =	sld [smem:$0x3FC9]  }
0x91: {  	s18 =	sld [smem:$0x3FD0];
	(tm) =	ssettm $0x1  }
0x92: {  	s4 =	sld [smem:$0x3FFB];
	_ =	sdelay $0x3  }
0x93: {  	_ =	strace s4  }
0x94: {  	s4 =	sld [smem:$0x3FFC];
	_ =	sdelay $0x3  }
0x95: {  	_ =	strace s4  }
0x96: {  	s4 =	sld [smem:$0x3FFD];
	_ =	sdelay $0x3  }
0x97: {  	_ =	strace s4  }
0x98: {  	_ =	strace $0x8FFFFFFF  }
0x99: {  	s19 =	sld [smem:$0x3FDB];
	_ =	sdelay $0x1  }
0x9a: {  	s5 =	simm.s32 $_scs_section_size  }
0x9b: {  	s6 =	simm.s32 $_size__tile_overlayer_lowered;
	s7 =	simm.s32 $_tile_overlayer_lowered  }
0x9c: {  	s22 =	simm.s32 $0x1BFF;
	s21 =	sshll.u32 s7, $0x1;
	s4 =	sadd.s32 s5, s19  }
0x9d: {  	s8 =	simm.s32 $0x0;
	s20 =	sshll.u32 s6, $0x1;
	s6 =	sadd.s32 s21, s4  }
0x9e: {  	[timem:s8], [sflag:s22] =	dma.local [hbm:s6], s20  }
0x9f: {  	_ =	swait.ge [sflag:s22], s20  }
0xa0: {  	s5 =	ssub.s32 $0x0, s20;
	[sflag:s22] =	ssyncset.done $0x0  }
0xa1: {  	[sflag:s22] =	ssyncadd.s32 s5;
	_ =	sdelay $0x1  }
0xa2: {  	s23 =	simm.s32 $0x1B8B  }
0xa3: {  	_ =	swait.ge [sflag:s23], $0x1  }
0xa4: {  	[sflag:s23] =	ssyncset.done $0x0  }
0xa5: {  	s25 =	simm.s32 $0x1B8E;
	s24 =	sld [smem:$0x3FFE];
	[sflag:s23] =	ssyncadd.s32 $0xFFFFFFFF  }
0xa6: {  	s26 =	simm.s32 $execute0_lowered;
	[smem:$0x3FD2] =	sst s25  }
0xa7: {  	s6 =	sshll.u32 s26, $0x1;
	_ =	strace $0x80000046;
	[dreg:$0x1] =	wrdreg $0xFFFFFFFF  }
0xa8: {  	s28 =	simm.s32 $_size_execute0_lowered;
	s4 =	sadd.s32 s4, s6;
	[dreg:$0x0] =	wrdreg $0x0  }
0xa9: {  	s6 =	sshll.u32 s28, $0x1;
	[dreg:$0x2] =	wrdreg s4  }
0xaa: {  	[dreg:$0x3] =	wrdreg s6  }
0xab: {  	[dreg:$0x4] =	wrdreg $0xC0  }
0xac: {  	_ =	task [dreg:s8], $0x5FFFF  }
0xad: {  	[dreg:$0x1] =	wrdreg $0xFFFFFFFF  }
0xae: {  	[dreg:$0x0] =	wrdreg $0x60  }
0xaf: {  	[dreg:$0x2] =	wrdreg s2  }
0xb0: {  	[dreg:$0x3] =	wrdreg s18  }
0xb1: {  	[dreg:$0x4] =	wrdreg s24  }
0xb2: {  	[dreg:$0x5] =	wrdreg $0x41800  }
0xb3: {  	[dreg:$0x6] =	wrdreg $0x9  }
0xb4: {  	_ =	task.clear_ibuf [dreg:s8], $0x7FFFF;
	_ =	strace $0x90000046  }
0xb5: {  	s29 =	simm.s32 $0x9;
	_ =	strace $0x80000048  }
0xb6: {  	_ =	swait.ge [sflag:s29], $0x1  }
0xb7: {  	[sflag:s29] =	ssyncadd.s32 $0xFFFFFFFF  }
0xb8: {  	_ =	strace $0x90000048  }
0xb9: {  	_ =	sfence  }
0xba: {  	s30 =	sld [smem:$0x0];
	_ =	sdelay $0x2  }
0xbb: {  	s31 =	sshll.u32 s1, $0xD;
	s1 =	sshrl.u32 s1, $0x2  }
0xbc: {  	s3 =	sand.u32 $0x4000, s31;
	s1 =	sadd.s32 s1, s30  }
0xbd: {  	s0 =	sor.u32 s3, s0;
	s1 =	sshll.u32 s1, $0x11  }
0xbe: {  	s0 =	sor.u32 s1, s0  }
0xbf: {  	s0 =	sadd.s32 $0x8F2B, s0  }
0xc0: {  	[sflag:s0] =	ssyncadd.remote.s32 $0x1  }
0xc1: {  	_ =	sfence.sel $0xFFFF  }
0xc2: {  	[dreg:$0x0] =	wrdreg $0xFFFFFFFF;
	(pc) =	sbr.abs _section_cstart, $3  }
0xc3: {  	[dreg:$0x1] =	wrdreg $0xFFFFFFFF  }
0xc4: {  	_ =	task.clear_ibuf [dreg:s8], $0x2FFFF;
	_ =	strace $0x9FFFFFFF  }
0xc5: {  	(tm) =	ssettm $0x7FFFFFFF  }
tec
execute0_lowered:
.L_overlay_start_1:
0x0: {  	(tag) =	ssettag $0x1  }
0x1: {  	s1 =	rddreg [dreg:$0x0]  }
0x2: {  	s2 =	rddreg [dreg:$0x1]  }
0x3: {  	s9 =	rddreg [dreg:$0x2]  }
0x4: {  	s3 =	rddreg [dreg:$0x3];
	s4 =	srdreg.scid  }
0x5: {  	s0 =	rddreg [dreg:$0x4];
	s5 =	simm.s32 $0x0;
	s10 =	sand.u32 $0x1, s4  }
0x6: {  	s16 =	simm.s32 $0x100;
	s4 =	stileid.u32;
	s11 =	smul.u32 $0x140000, s10  }
0x7: {  	s17 =	simm.s32 $0x180;
	s18 =	simm.s32 $0x1;
	s12 =	smul.u32 $0x14000, s4  }
0x8: {  	[smem:$0x7FF] =	sst s5;
	s6 =	sadd.s32 $0x600, s9;
	s13 =	smul.u32 $0x50000, s4  }
0x9: {  	s7 =	sadd.s32 $0xA400, s9;
	s30 =	ssub.s32 $0x2, s10;
	s10 =	smul.u32 $0x27800, s10  }
0xa: {  	s8 =	sadd.s32 $0x14200, s9;
	_ =	strace $0x80000047;
	s15 =	smul.u32 $0x2780, s4  }
0xb: {  	s14 =	sshll.u32 s4, $0x6;
	s31 =	sshrl.u32 s30, $0x1;
	s11 =	sadd.s32 s12, s11  }
0xc: {  	s13 =	sshrl.u32 s13, $0x2;
	s12 =	ssub.s32 s30, s31;
	s10 =	sadd.s32 s15, s10  }
0xd: {  	s15 =	simm.s32 $0x80;
	s11 =	sshrl.u32 s11, $0x3;
	s13 =	sadd.s32 s13, s3  }
0xe: {  	s12 =	smax.u32 s12, $0x1;
	s11 =	sadd.s32 s11, s9;
	s9 =	sor.u32 $0x1C02, s14  }
0xf: {  	s13 =	sshrl.u32 s13, $0x3;
	s14 =	simm.s32 $0x2;
	s11 =	sadd.s32 $0x16A00, s11  }
.LBB2_1:
0x10: {  	[spmem:s13], [sflag:s9] =	dma.local [hbm:s8], $0x2800  }
0x11: {  	_ =	swait.ge [sflag:s14], $0x2800  }
0x12: {  	[sflag:s14] =	ssyncset.done $0x0  }
0x13: {  	[sflag:s14] =	ssyncadd.s32 $0xFFFFD800  }
0x14: {  	s19 =	simm.s32 $0x0;
	[bflag:$0x0] =	sbarrier.arrive $0xFFFF  }
.LBB2_2:
0x15: {  	s20 =	sshll.u32 s19, $0x7  }
0x16: {  	s20 =	sadd.s32 s20, s10  }
0x17: {  	s21 =	sshrl.u32 s20, $0x3  }
0x18: {  	s20 =	simm.s32 $0x0;
	s22 =	sadd.s32 s2, s21  }
0x19: {  	[tilespmem:s20], [sflag:$0x2] =	stream.linear.gather [hbm4b:s22+s20], $0x80, $0x38;
	[tilespmem:$0x18180] =	vst v63  }
0x1a: {  	_ =	swait.ge [sflag:s14], $0x80  }
0x1b: {  	[sflag:s14] =	ssyncset.done $0x0  }
0x1c: {  	s31 =	sadd.s32 s6, s21;
	[sflag:s14] =	ssyncadd.s32 $0xFFFFFF80  }
0x1d: {  	[tilespmem:s15], [sflag:$0x2] =	stream.linear.gather [hbm4b:s31+s20], $0x80, $0x38;
	[tilespmem:$0x18180] =	vst v63  }
0x1e: {  	_ =	swait.ge [sflag:s14], $0x80  }
0x1f: {  	[sflag:s14] =	ssyncset.done $0x0  }
0x20: {  	s21 =	sadd.s32 s7, s21;
	[sflag:s14] =	ssyncadd.s32 $0xFFFFFF80  }
0x21: {  	[tilespmem:s16], [sflag:$0x2] =	stream.linear.gather [hbm4b:s21+s20], $0x80, $0x38;
	[tilespmem:$0x18180] =	vst v63  }
0x22: {  	_ =	swait.ge [sflag:s14], $0x80  }
0x23: {  	[sflag:s14] =	ssyncset.done $0x0  }
0x24: {  	[sflag:s14] =	ssyncadd.s32 $0xFFFFFF80  }
0x25: {  	[tilespmem:s17], [sflag:$0x1] =	stream.indirect.gather [hbm4b:s1+s15], $0x80, s20, s15, $0xb8;
	[tilespmem:$0x18180] =	vst v63  }
0x26: {  	_ =	swait.ge [sflag:s18], $0x4000  }
0x27: {  	[sflag:s18] =	ssyncset.done $0x0  }
0x28: {  	[sflag:s18] =	ssyncadd.s32 $0xFFFFC000  }
.LBB2_3:
0x29: {  	s21 =	sshll.u32 s20, $0x4  }
0x2a: {  	s21 =	sand.u32 $0x3FFFFFF0, s21  }
0x2b: {  	s31 =	sshll.u32 s20, $0xB;
	v0 =	vld [tilespmem:s21+$0x100]  }
0x2c: {  	s21 =	sand.u32 $0x3FFFF800, s31  }
0x2d: {  	v1 =	vld [tilespmem:s21+$0x180]  }
0x2e: {  	v2 =	vld [tilespmem:s21+$0x190]  }
0x2f: {  	v3 =	vld [tilespmem:s21+$0x1A0]  }
0x30: {  	v5 =	vld [tilespmem:s21+$0x1B0];
	v4 =	vbroadcast v0, $0x0  }
0x31: {  	v6 =	vld [tilespmem:s21+$0x1C0]  }
0x32: {  	v7 =	vld [tilespmem:s21+$0x1D0];
	v1 =	vmul.f32 v4, v1  }
0x33: {  	v8 =	vld [tilespmem:s21+$0x1E0];
	v2 =	vmul.f32 v2, v4  }
0x34: {  	v14 =	vld [tilespmem:s21+$0x1F0];
	v13 =	vmul.f32 v3, v4;
	[tilespmem:s21+$0x180] =	vst v1  }
0x35: {  	v16 =	vld [tilespmem:s21+$0x200];
	v15 =	vmul.f32 v5, v4;
	[tilespmem:s21+$0x190] =	vst v2  }
0x36: {  	v18 =	vld [tilespmem:s21+$0x210];
	v17 =	vmul.f32 v6, v4;
	[tilespmem:s21+$0x1A0] =	vst v13  }
0x37: {  	v20 =	vld [tilespmem:s21+$0x220];
	v19 =	vmul.f32 v7, v4;
	[tilespmem:s21+$0x1B0] =	vst v15  }
0x38: {  	v9 =	vld [tilespmem:s21+$0x230];
	v22 =	vbroadcast v0, $0x1;
	v21 =	vmul.f32 v8, v4;
	[tilespmem:s21+$0x1C0] =	vst v17  }
0x39: {  	v24 =	vld [tilespmem:s21+$0x240];
	v23 =	vmul.f32 v14, v4;
	[tilespmem:s21+$0x1D0] =	vst v19  }
0x3a: {  	v26 =	vld [tilespmem:s21+$0x250];
	v25 =	vmul.f32 v16, v22;
	[tilespmem:s21+$0x1E0] =	vst v21  }
0x3b: {  	v28 =	vld [tilespmem:s21+$0x260];
	v27 =	vmul.f32 v18, v22;
	[tilespmem:s21+$0x1F0] =	vst v23  }
0x3c: {  	v30 =	vld [tilespmem:s21+$0x270];
	v29 =	vmul.f32 v20, v22;
	[tilespmem:s21+$0x200] =	vst v25  }
0x3d: {  	v32 =	vld [tilespmem:s21+$0x280];
	v31 =	vmul.f32 v9, v22;
	[tilespmem:s21+$0x210] =	vst v27  }
0x3e: {  	v34 =	vld [tilespmem:s21+$0x290];
	v33 =	vmul.f32 v24, v22;
	[tilespmem:s21+$0x220] =	vst v29  }
0x3f: {  	v36 =	vld [tilespmem:s21+$0x2A0];
	v35 =	vmul.f32 v26, v22;
	[tilespmem:s21+$0x230] =	vst v31  }
0x40: {  	v39 =	vld [tilespmem:s21+$0x2B0];
	v38 =	vbroadcast v0, $0x2;
	v37 =	vmul.f32 v28, v22;
	[tilespmem:s21+$0x240] =	vst v33  }
0x41: {  	v41 =	vld [tilespmem:s21+$0x2C0];
	v40 =	vmul.f32 v30, v22;
	[tilespmem:s21+$0x250] =	vst v35  }
0x42: {  	v43 =	vld [tilespmem:s21+$0x2D0];
	v42 =	vmul.f32 v32, v38;
	[tilespmem:s21+$0x260] =	vst v37  }
0x43: {  	v45 =	vld [tilespmem:s21+$0x2E0];
	v44 =	vmul.f32 v34, v38;
	[tilespmem:s21+$0x270] =	vst v40  }
0x44: {  	v47 =	vld [tilespmem:s21+$0x2F0];
	v46 =	vmul.f32 v36, v38;
	[tilespmem:s21+$0x280] =	vst v42  }
0x45: {  	v49 =	vld [tilespmem:s21+$0x300];
	v48 =	vmul.f32 v39, v38;
	[tilespmem:s21+$0x290] =	vst v44  }
0x46: {  	v51 =	vld [tilespmem:s21+$0x310];
	v50 =	vmul.f32 v41, v38;
	[tilespmem:s21+$0x2A0] =	vst v46  }
0x47: {  	v53 =	vld [tilespmem:s21+$0x320];
	v52 =	vmul.f32 v43, v38;
	[tilespmem:s21+$0x2B0] =	vst v48  }
0x48: {  	v12 =	vld [tilespmem:s21+$0x370];
	v55 =	vbroadcast v0, $0x3;
	v54 =	vmul.f32 v45, v38;
	[tilespmem:s21+$0x2C0] =	vst v50  }
0x49: {  	v56 =	vld [tilespmem:s21+$0x330];
	v57 =	vmul.f32 v47, v38;
	[tilespmem:s21+$0x2D0] =	vst v52  }
0x4a: {  	v58 =	vld [tilespmem:s21+$0x340];
	v59 =	vmul.f32 v49, v55;
	[tilespmem:s21+$0x2E0] =	vst v54  }
0x4b: {  	v60 =	vld [tilespmem:s21+$0x350];
	v61 =	vmul.f32 v51, v55;
	[tilespmem:s21+$0x2F0] =	vst v57  }
0x4c: {  	v62 =	vld [tilespmem:s21+$0x360];
	v63 =	vmul.f32 v53, v55;
	[tilespmem:s21+$0x300] =	vst v59  }
0x4d: {  	v14 =	vld [tilespmem:s21+$0x380];
	v22 =	vmul.f32 v12, v55;
	[tilespmem:s21+$0x310] =	vst v61  }
0x4e: {  	v16 =	vld [tilespmem:s21+$0x390];
	v13 =	vmul.f32 v56, v55;
	[tilespmem:s21+$0x320] =	vst v63  }
0x4f: {  	v18 =	vld [tilespmem:s21+$0x3A0];
	v15 =	vmul.f32 v58, v55;
	[tilespmem:s21+$0x370] =	vst v22  }
0x50: {  	v20 =	vbroadcast v0, $0x4;
	v38 =	vld [tilespmem:s21+$0x430];
	v17 =	vmul.f32 v60, v55;
	[tilespmem:s21+$0x330] =	vst v13  }
0x51: {  	v19 =	vmul.f32 v62, v55;
	v21 =	vld [tilespmem:s21+$0x3B0];
	[tilespmem:s21+$0x340] =	vst v15  }
0x52: {  	v23 =	vld [tilespmem:s21+$0x3C0];
	[tilespmem:s21+$0x350] =	vst v17;
	v24 =	vmul.f32 v14, v20  }
0x53: {  	v25 =	vld [tilespmem:s21+$0x3D0];
	v37 =	vbroadcast v0, $0x5;
	[tilespmem:s21+$0x360] =	vst v19;
	v26 =	vmul.f32 v16, v20  }
0x54: {  	v27 =	vld [tilespmem:s21+$0x3E0];
	v28 =	vmul.f32 v18, v20;
	[tilespmem:s21+$0x380] =	vst v24  }
0x55: {  	v29 =	vld [tilespmem:s21+$0x3F0];
	v47 =	vmul.f32 v38, v37;
	[tilespmem:s21+$0x390] =	vst v26  }
0x56: {  	v31 =	vld [tilespmem:s21+$0x400];
	v30 =	vmul.f32 v21, v20;
	[tilespmem:s21+$0x3A0] =	vst v28  }
0x57: {  	v33 =	vld [tilespmem:s21+$0x410];
	v32 =	vmul.f32 v23, v20;
	[tilespmem:s21+$0x430] =	vst v47  }
0x58: {  	v35 =	vld [tilespmem:s21+$0x420];
	v34 =	vmul.f32 v25, v20;
	[tilespmem:s21+$0x3B0] =	vst v30  }
0x59: {  	v40 =	vld [tilespmem:s21+$0x440];
	v36 =	vmul.f32 v27, v20;
	[tilespmem:s21+$0x3C0] =	vst v32  }
0x5a: {  	v42 =	vld [tilespmem:s21+$0x450];
	v39 =	vmul.f32 v29, v20;
	[tilespmem:s21+$0x3D0] =	vst v34  }
0x5b: {  	v44 =	vld [tilespmem:s21+$0x460];
	v41 =	vmul.f32 v31, v37;
	[tilespmem:s21+$0x3E0] =	vst v36  }
0x5c: {  	v46 =	vld [tilespmem:s21+$0x470];
	v43 =	vmul.f32 v33, v37;
	[tilespmem:s21+$0x3F0] =	vst v39  }
0x5d: {  	v48 =	vld [tilespmem:s21+$0x480];
	v45 =	vmul.f32 v35, v37;
	[tilespmem:s21+$0x400] =	vst v41  }
0x5e: {  	v50 =	vld [tilespmem:s21+$0x490];
	v49 =	vmul.f32 v40, v37;
	[tilespmem:s21+$0x410] =	vst v43  }
0x5f: {  	v52 =	vld [tilespmem:s21+$0x4A0];
	v51 =	vmul.f32 v42, v37;
	[tilespmem:s21+$0x420] =	vst v45  }
0x60: {  	v54 =	vbroadcast v0, $0x6;
	v55 =	vld [tilespmem:s21+$0x4B0];
	v53 =	vmul.f32 v44, v37;
	[tilespmem:s21+$0x440] =	vst v49  }
0x61: {  	v57 =	vld [tilespmem:s21+$0x4C0];
	v56 =	vmul.f32 v46, v37;
	[tilespmem:s21+$0x450] =	vst v51  }
0x62: {  	v59 =	vld [tilespmem:s21+$0x4D0];
	v58 =	vmul.f32 v48, v54;
	[tilespmem:s21+$0x460] =	vst v53  }
0x63: {  	v61 =	vld [tilespmem:s21+$0x4E0];
	v60 =	vmul.f32 v50, v54;
	[tilespmem:s21+$0x470] =	vst v56  }
0x64: {  	v63 =	vld [tilespmem:s21+$0x4F0];
	v62 =	vmul.f32 v52, v54;
	[tilespmem:s21+$0x480] =	vst v58  }
0x65: {  	v22 =	vld [tilespmem:s21+$0x540];
	v12 =	vmul.f32 v55, v54;
	[tilespmem:s21+$0x490] =	vst v60  }
0x66: {  	v13 =	vld [tilespmem:s21+$0x500];
	v14 =	vmul.f32 v57, v54;
	[tilespmem:s21+$0x4A0] =	vst v62  }
0x67: {  	v15 =	vld [tilespmem:s21+$0x510];
	v16 =	vmul.f32 v59, v54;
	[tilespmem:s21+$0x4B0] =	vst v12  }
0x68: {  	v17 =	vld [tilespmem:s21+$0x520];
	v19 =	vbroadcast v0, $0x7;
	v18 =	vmul.f32 v61, v54;
	[tilespmem:s21+$0x4C0] =	vst v14  }
0x69: {  	v20 =	vld [tilespmem:s21+$0x530];
	v21 =	vmul.f32 v63, v54;
	[tilespmem:s21+$0x4D0] =	vst v16  }
0x6a: {  	v24 =	vld [tilespmem:s21+$0x550];
	v31 =	vmul.f32 v22, v19;
	[tilespmem:s21+$0x4E0] =	vst v18  }
0x6b: {  	v26 =	vld [tilespmem:s21+$0x560];
	v23 =	vmul.f32 v13, v19;
	[tilespmem:s21+$0x4F0] =	vst v21  }
0x6c: {  	v28 =	vld [tilespmem:s21+$0x570];
	v25 =	vmul.f32 v15, v19;
	[tilespmem:s21+$0x540] =	vst v31  }
0x6d: {  	v37 =	vld [tilespmem:s21+$0x5B0];
	v27 =	vmul.f32 v17, v19;
	[tilespmem:s21+$0x500] =	vst v23  }
0x6e: {  	v47 =	vld [tilespmem:s21+$0x600];
	[tilespmem:s21+$0x510] =	vst v25;
	v29 =	vmul.f32 v20, v19  }
0x6f: {  	v54 =	vld [tilespmem:s21+$0x630];
	[tilespmem:s21+$0x520] =	vst v27;
	v33 =	vmul.f32 v24, v19  }
0x70: {  	v30 =	vld [tilespmem:s21+$0x580];
	v36 =	vbroadcast v0, $0x8;
	v35 =	vmul.f32 v26, v19;
	[tilespmem:s21+$0x530] =	vst v29  }
0x71: {  	v32 =	vld [tilespmem:s21+$0x590];
	v53 =	vbroadcast v0, $0x9;
	v38 =	vmul.f32 v28, v19;
	[tilespmem:s21+$0x550] =	vst v33  }
0x72: {  	v34 =	vld [tilespmem:s21+$0x5A0];
	v46 =	vmul.f32 v37, v36;
	[tilespmem:s21+$0x560] =	vst v35  }
0x73: {  	v39 =	vld [tilespmem:s21+$0x5C0];
	v57 =	vmul.f32 v47, v53;
	[tilespmem:s21+$0x570] =	vst v38  }
0x74: {  	v41 =	vld [tilespmem:s21+$0x5D0];
	v63 =	vmul.f32 v54, v53;
	[tilespmem:s21+$0x5B0] =	vst v46  }
0x75: {  	v43 =	vld [tilespmem:s21+$0x5E0];
	v40 =	vmul.f32 v30, v36;
	[tilespmem:s21+$0x600] =	vst v57  }
0x76: {  	v45 =	vld [tilespmem:s21+$0x5F0];
	v42 =	vmul.f32 v32, v36;
	[tilespmem:s21+$0x630] =	vst v63  }
0x77: {  	v49 =	vld [tilespmem:s21+$0x610];
	v44 =	vmul.f32 v34, v36;
	[tilespmem:s21+$0x580] =	vst v40  }
0x78: {  	v51 =	vld [tilespmem:s21+$0x620];
	v48 =	vmul.f32 v39, v36;
	[tilespmem:s21+$0x590] =	vst v42  }
0x79: {  	v56 =	vld [tilespmem:s21+$0x640];
	v50 =	vmul.f32 v41, v36;
	[tilespmem:s21+$0x5A0] =	vst v44  }
0x7a: {  	v58 =	vld [tilespmem:s21+$0x650];
	v52 =	vmul.f32 v43, v36;
	[tilespmem:s21+$0x5C0] =	vst v48  }
0x7b: {  	v60 =	vld [tilespmem:s21+$0x660];
	v55 =	vmul.f32 v45, v36;
	[tilespmem:s21+$0x5D0] =	vst v50  }
0x7c: {  	v62 =	vld [tilespmem:s21+$0x670];
	v59 =	vmul.f32 v49, v53;
	[tilespmem:s21+$0x5E0] =	vst v52  }
0x7d: {  	v12 =	vld [tilespmem:s21+$0x680];
	v61 =	vmul.f32 v51, v53;
	[tilespmem:s21+$0x5F0] =	vst v55  }
0x7e: {  	v14 =	vld [tilespmem:s21+$0x690];
	v13 =	vmul.f32 v56, v53;
	[tilespmem:s21+$0x610] =	vst v59  }
0x7f: {  	v16 =	vld [tilespmem:s21+$0x6A0];
	v15 =	vmul.f32 v58, v53;
	[tilespmem:s21+$0x620] =	vst v61  }
0x80: {  	v18 =	vbroadcast v0, $0xA;
	v21 =	vld [tilespmem:s21+$0x6C0];
	v17 =	vmul.f32 v60, v53;
	[tilespmem:s21+$0x640] =	vst v13  }
0x81: {  	v23 =	vld [tilespmem:s21+$0x6D0];
	v20 =	vmul.f32 v62, v53;
	[tilespmem:s21+$0x650] =	vst v15  }
0x82: {  	v25 =	vld [tilespmem:s21+$0x6E0];
	v22 =	vmul.f32 v12, v18;
	[tilespmem:s21+$0x660] =	vst v17  }
0x83: {  	v27 =	vld [tilespmem:s21+$0x6F0];
	v24 =	vmul.f32 v14, v18;
	[tilespmem:s21+$0x670] =	vst v20  }
0x84: {  	v31 =	vld [tilespmem:s21+$0x710];
	v26 =	vmul.f32 v16, v18;
	[tilespmem:s21+$0x680] =	vst v22  }
0x85: {  	v19 =	vld [tilespmem:s21+$0x6B0];
	v30 =	vmul.f32 v21, v18;
	[tilespmem:s21+$0x690] =	vst v24  }
0x86: {  	v29 =	vld [tilespmem:s21+$0x700];
	[tilespmem:s21+$0x6A0] =	vst v26;
	v32 =	vmul.f32 v23, v18  }
0x87: {  	v33 =	vld [tilespmem:s21+$0x720];
	v35 =	vbroadcast v0, $0xB;
	[tilespmem:s21+$0x6C0] =	vst v30;
	v34 =	vmul.f32 v25, v18  }
0x88: {  	v36 =	vld [tilespmem:s21+$0x730];
	v37 =	vmul.f32 v27, v18;
	[tilespmem:s21+$0x6D0] =	vst v32  }
0x89: {  	v38 =	vld [tilespmem:s21+$0x740];
	v41 =	vmul.f32 v31, v35;
	[tilespmem:s21+$0x6E0] =	vst v34  }
0x8a: {  	v46 =	vld [tilespmem:s21+$0x780];
	v28 =	vmul.f32 v19, v18;
	[tilespmem:s21+$0x6F0] =	vst v37  }
0x8b: {  	v53 =	vld [tilespmem:s21+$0x7B0];
	[tilespmem:s21+$0x710] =	vst v41;
	v39 =	vmul.f32 v29, v35  }
0x8c: {  	v57 =	vld [tilespmem:s21+$0x7D0];
	[tilespmem:s21+$0x6B0] =	vst v28;
	v43 =	vmul.f32 v33, v35  }
0x8d: {  	v63 =	vld [tilespmem:s21+$0x800];
	v52 =	vbroadcast v0, $0xC;
	v45 =	vmul.f32 v36, v35;
	[tilespmem:s21+$0x700] =	vst v39  }
0x8e: {  	v40 =	vld [tilespmem:s21+$0x750];
	v47 =	vmul.f32 v38, v35;
	[tilespmem:s21+$0x720] =	vst v43  }
0x8f: {  	v42 =	vld [tilespmem:s21+$0x760];
	v56 =	vmul.f32 v46, v52;
	[tilespmem:s21+$0x730] =	vst v45  }
0x90: {  	v44 =	vld [tilespmem:s21+$0x770];
	v17 =	vbroadcast v0, $0xD;
	v62 =	vmul.f32 v53, v52;
	[tilespmem:s21+$0x740] =	vst v47  }
0x91: {  	v48 =	vld [tilespmem:s21+$0x790];
	v14 =	vmul.f32 v57, v52;
	[tilespmem:s21+$0x780] =	vst v56  }
0x92: {  	v50 =	vld [tilespmem:s21+$0x7A0];
	v21 =	vmul.f32 v63, v17;
	[tilespmem:s21+$0x7B0] =	vst v62  }
0x93: {  	v55 =	vld [tilespmem:s21+$0x7C0];
	v49 =	vmul.f32 v40, v35;
	[tilespmem:s21+$0x7D0] =	vst v14  }
0x94: {  	v59 =	vld [tilespmem:s21+$0x7E0];
	v51 =	vmul.f32 v42, v35;
	[tilespmem:s21+$0x800] =	vst v21  }
0x95: {  	v61 =	vld [tilespmem:s21+$0x7F0];
	v54 =	vmul.f32 v44, v35;
	[tilespmem:s21+$0x750] =	vst v49  }
0x96: {  	v13 =	vld [tilespmem:s21+$0x810];
	v58 =	vmul.f32 v48, v52;
	[tilespmem:s21+$0x760] =	vst v51  }
0x97: {  	v15 =	vld [tilespmem:s21+$0x820];
	v60 =	vmul.f32 v50, v52;
	[tilespmem:s21+$0x770] =	vst v54  }
0x98: {  	v20 =	vld [tilespmem:s21+$0x840];
	v12 =	vmul.f32 v55, v52;
	[tilespmem:s21+$0x790] =	vst v58  }
0x99: {  	v22 =	vld [tilespmem:s21+$0x850];
	v16 =	vmul.f32 v59, v52;
	[tilespmem:s21+$0x7A0] =	vst v60  }
0x9a: {  	v24 =	vld [tilespmem:s21+$0x860];
	v19 =	vmul.f32 v61, v52;
	[tilespmem:s21+$0x7C0] =	vst v12  }
0x9b: {  	v26 =	vld [tilespmem:s21+$0x870];
	v23 =	vmul.f32 v13, v17;
	[tilespmem:s21+$0x7E0] =	vst v16  }
0x9c: {  	v30 =	vld [tilespmem:s21+$0x890];
	v25 =	vmul.f32 v15, v17;
	[tilespmem:s21+$0x7F0] =	vst v19  }
0x9d: {  	v18 =	vld [tilespmem:s21+$0x830];
	v29 =	vmul.f32 v20, v17;
	[tilespmem:s21+$0x810] =	vst v23  }
0x9e: {  	v32 =	vld [tilespmem:s21+$0x8A0];
	v31 =	vmul.f32 v22, v17;
	[tilespmem:s21+$0x820] =	vst v25  }
0x9f: {  	v34 =	vbroadcast v0, $0xE;
	v37 =	vld [tilespmem:s21+$0x8C0];
	v33 =	vmul.f32 v24, v17;
	[tilespmem:s21+$0x840] =	vst v29  }
0xa0: {  	v41 =	vld [tilespmem:s21+$0x8E0];
	v36 =	vmul.f32 v26, v17;
	[tilespmem:s21+$0x850] =	vst v31  }
0xa1: {  	v28 =	vld [tilespmem:s21+$0x880];
	v40 =	vmul.f32 v30, v34;
	[tilespmem:s21+$0x860] =	vst v33  }
0xa2: {  	v53 =	vld [tilespmem:s21+$0x940];
	v27 =	vmul.f32 v18, v17;
	[tilespmem:s21+$0x870] =	vst v36  }
0xa3: {  	v57 =	vld [tilespmem:s21+$0x960];
	v42 =	vmul.f32 v32, v34;
	[tilespmem:s21+$0x890] =	vst v40  }
0xa4: {  	v35 =	vld [tilespmem:s21+$0x8B0];
	v46 =	vmul.f32 v37, v34;
	[tilespmem:s21+$0x830] =	vst v27  }
0xa5: {  	v0 =	vbroadcast v0, $0xF;
	v39 =	vld [tilespmem:s21+$0x8D0];
	v50 =	vmul.f32 v41, v34;
	[tilespmem:s21+$0x8A0] =	vst v42  }
0xa6: {  	v43 =	vld [tilespmem:s21+$0x8F0];
	v38 =	vmul.f32 v28, v34;
	[tilespmem:s21+$0x8C0] =	vst v46  }
0xa7: {  	v45 =	vld [tilespmem:s21+$0x900];
	v61 =	vmul.f32 v53, v0;
	[tilespmem:s21+$0x8E0] =	vst v50  }
0xa8: {  	v47 =	vld [tilespmem:s21+$0x910];
	v63 =	vmul.f32 v57, v0;
	[tilespmem:s21+$0x880] =	vst v38  }
0xa9: {  	v55 =	vld [tilespmem:s21+$0x950];
	v44 =	vmul.f32 v35, v34;
	[tilespmem:s21+$0x940] =	vst v61  }
0xaa: {  	v49 =	vld [tilespmem:s21+$0x920];
	v48 =	vmul.f32 v39, v34;
	[tilespmem:s21+$0x960] =	vst v63  }
0xab: {  	v51 =	vld [tilespmem:s21+$0x930];
	v52 =	vmul.f32 v43, v34;
	[tilespmem:s21+$0x8B0] =	vst v44  }
0xac: {  	v59 =	vld [tilespmem:s21+$0x970];
	v54 =	vmul.f32 v45, v0;
	[tilespmem:s21+$0x8D0] =	vst v48  }
0xad: {  	v56 =	vmul.f32 v47, v0;
	[tilespmem:s21+$0x8F0] =	vst v52  }
0xae: {  	p0 =	sne.s32 s20, $0x7;
	v62 =	vmul.f32 v55, v0;
	[tilespmem:s21+$0x900] =	vst v54  }
.Ltmp0:
0xaf: {  	v58 =	vmul.f32 v49, v0;
	[tilespmem:s21+$0x910] =	vst v56;
	(pc) =	sbr.rel @p0 .LBB2_3-.Ltmp0, $4  }
0xb0: {  	v60 =	vmul.f32 v51, v0;
	[tilespmem:s21+$0x950] =	vst v62  }
0xb1: {  	v0 =	vmul.f32 v59, v0;
	[tilespmem:s21+$0x920] =	vst v58  }
0xb2: {  	[tilespmem:s21+$0x930] =	vst v60  }
0xb3: {  	s20 =	sadd.s32 $0x1, s20;
	[tilespmem:s21+$0x970] =	vst v0  }
0xb4: {  	s19 =	sadd.s32 $0x1, s19  }
0xb5: {  	p0 =	sne.s32 s19, $0x4F  }
.Ltmp1:
0xb6: {  	_ = 	snop;
	(pc) =	sbr.rel @p0 .LBB2_2-.Ltmp1, $4  }
0xb7: {  	[spmem:s3] =	stream.indirect.scatter.add.f32 [tilespmem:s17], [sflag:$0x2], $0x80, s15, s15, $0xb8;
	[tilespmem:$0x18180] =	vst v63  }
0xb8: {  	_ =	swait.ge [sflag:s14], $0x4000  }
0xb9: {  	[sflag:s14] =	ssyncset.done $0x0  }
0xba: {  	[sflag:s14] =	ssyncadd.s32 $0xFFFFC000  }
0xbb: {  	s5 =	sadd.s32 $0x1, s5  }
0xbc: {  	p0 =	sne.s32 s5, s12  }
.Ltmp2:
0xbd: {  	[bflag:$0x0] =	sbarrier.arrive $0xFFFF;
	(pc) =	sbr.rel @p0 .LBB2_1-.Ltmp2, $4  }
0xbe: {  	[hbm:s11], [sflag:s9] =	dma.local [spmem:s13], $0x2800  }
0xbf: {  	_ =	swait.ge [sflag:s14], $0x2800  }
0xc0: {  	[sflag:s14] =	ssyncset.done $0x0  }
0xc1: {  	[sflag:s14] =	ssyncadd.s32 $0xFFFFD800  }
0xc2: {  	_ =	sfence.sel $0x180000  }
0xc3: {  	[bflag:$0x0] =	sbarrier.arrive $0xFFFF  }
0xc4: {  	p0 =	sne.s32 s4, $0x0;
	_ =	strace $0x90000047  }
0xc5: {  	s0 =	sadd.s32 @!p0 $0x100000, s0;
	[bflag:$0x2] =	sbarrier.arrive $0xFFFF  }
0xc6: {  	[sflag:s0] =	ssyncadd.tile.s32 @!p0 $0x1;
	_ =	shalt  }
.Lfunc_end2:
_tile_overlayer_lowered:
.L_overlay_start_2:
0xc7: {  	(tag) =	ssettag $0x2  }
0xc8: {  	s0 =	rddreg [dreg:$0x0];
	s2 =	stileid.u32  }
0xc9: {  	s1 =	rddreg [dreg:$0x1];
	p0 =	sne.s32 s2, $0x0  }
0xca: {  	s3 =	rddreg [dreg:$0x2];
	[bflag:$0x3] =	sbarrier.arrive $0xFFFF;
	s2 =	simm.s32 @!p0 $0x1C02  }
0xcb: {  	[timem:s3], [sflag:s2] =	dma.local @!p0 [hbm:s0], s1  }
0xcc: {  	s0 =	simm.s32 @!p0 $0x2  }
0xcd: {  	_ =	swait.ge @!p0 [sflag:s0], s1  }
0xce: {  	s1 =	ssub.s32 @!p0 $0x0, s1;
	[sflag:s0] =	ssyncset.done @!p0 $0x0  }
0xcf: {  	[sflag:s0] =	ssyncadd.s32 @!p0 s1  }
0xd0: {  	[bflag:$0x3] =	sbarrier.arrive $0xFFFF  }
0xd1: {  	_ =	shalt  }

</sc_bundles>
